<compile_context>
chip_gen: v7x
topology: tpu7x:2x2x1
jax: 0.10.2.dev20260603
libtpu: 0.0.44.dev20260713+nightly
codegen_flags: <defaults>
</compile_context>

<pallas_src>
import functools

import jax
import jax.numpy as jnp
from jax import lax
from jax.experimental import pallas as pl
from jax.experimental.pallas import tpu as pltpu
from jax.experimental.pallas import tpu_sc as plsc

N = 10000
E = 320000
D = 128
D_OUT = 128

NC = 2
NS = 16
DH = D // NC
CHUNK = 128
ROWS_PER_TILE = 632
NP = NS * ROWS_PER_TILE
EPT = 20224
NCHUNK = EPT // CHUNK
EPAD = NS * EPT
DEGW = 16
ZROWS = ROWS_PER_TILE // 8

_sc_mesh = plsc.VectorSubcoreMesh(core_axis_name="c", subcore_axis_name="s")


@functools.partial(
    pl.kernel,
    out_type=[
        jax.ShapeDtypeStruct((NC, NP, DH), jnp.float32),
        jax.ShapeDtypeStruct((NP, DEGW), jnp.float32),
    ],
    mesh=_sc_mesh,
    scratch_types=[
        pltpu.VMEM_SHARED((NP, DH), jnp.float32),
        pltpu.VMEM_SHARED((NP, DEGW), jnp.float32),
        pltpu.VMEM((ZROWS, DH), jnp.float32),
        pltpu.VMEM((ROWS_PER_TILE, DEGW), jnp.float32),
        pltpu.VMEM((CHUNK, DEGW), jnp.float32),
        pltpu.VMEM((NCHUNK, CHUNK), jnp.int32),
        pltpu.VMEM((NCHUNK, CHUNK), jnp.int32),
        pltpu.VMEM((CHUNK, DH), jnp.float32),
        pltpu.VMEM((CHUNK, DH), jnp.float32),
        pltpu.SemaphoreType.DMA,
        pltpu.SemaphoreType.DMA,
    ],
    compiler_params=pltpu.CompilerParams(use_tc_tiling_on_sc=False),
)
def _sc_aggregate(xh_hbm, src_hbm, dst_hbm, psum_hbm, pdeg_hbm,
                  acc_s, dacc_s, zf_v, zd_v, ones_v, sidx_v, didx_v,
                  rows0_v, rows1_v, sem0, sem1):
    cid = lax.axis_index("c")
    sid = lax.axis_index("s")

    zero16 = jnp.zeros((16,), jnp.float32)
    one16 = jnp.ones((16,), jnp.float32)

    def fill_zf(i, carry):
        for j in range(DH // 16):
            zf_v[i, pl.ds(16 * j, 16)] = zero16
        return carry

    lax.fori_loop(0, ZROWS, fill_zf, 0)

    def fill_zd(i, carry):
        zd_v[i, :] = zero16
        return carry

    lax.fori_loop(0, ROWS_PER_TILE, fill_zd, 0)

    def fill_ones(i, carry):
        ones_v[i, :] = one16
        return carry

    lax.fori_loop(0, CHUNK, fill_ones, 0)

    r0 = sid * ROWS_PER_TILE
    for j in range(8):
        pltpu.sync_copy(zf_v, acc_s.at[pl.ds(r0 + j * ZROWS, ZROWS)])

    @pl.when(cid == 0)
    def _():
        pltpu.sync_copy(zd_v, dacc_s.at[pl.ds(r0, ROWS_PER_TILE)])

    plsc.subcore_barrier()

    pltpu.sync_copy(src_hbm.at[sid], sidx_v)
    pltpu.sync_copy(dst_hbm.at[sid], didx_v)

    rows = (rows0_v, rows1_v)
    sems = (sem0, sem1)
    xsrc = xh_hbm.at[cid]

    pltpu.async_copy(xsrc.at[sidx_v.at[0]], rows0_v, sem0)

    def scatter(i, b):
        pltpu.make_async_copy(xsrc.at[sidx_v.at[i]], rows[b], sems[b]).wait()
        pltpu.sync_copy(rows[b], acc_s.at[didx_v.at[i]], add=True)

        @pl.when(cid == 0)
        def _():
            pltpu.sync_copy(ones_v, dacc_s.at[didx_v.at[i]], add=True)

    def chunk_body(i2, carry):
        i = i2 * 2
        pltpu.async_copy(xsrc.at[sidx_v.at[i + 1]], rows1_v, sem1)
        scatter(i, 0)

        @pl.when(i + 2 < NCHUNK)
        def _():
            pltpu.async_copy(xsrc.at[sidx_v.at[i + 2]], rows0_v, sem0)

        scatter(i + 1, 1)
        return carry

    lax.fori_loop(0, NCHUNK // 2, chunk_body, 0)
    plsc.subcore_barrier()

    pltpu.sync_copy(acc_s.at[pl.ds(r0, ROWS_PER_TILE)],
                    psum_hbm.at[cid, pl.ds(r0, ROWS_PER_TILE)])

    @pl.when(cid == 0)
    def _():
        pltpu.sync_copy(dacc_s.at[pl.ds(r0, ROWS_PER_TILE)],
                        pdeg_hbm.at[pl.ds(r0, ROWS_PER_TILE)])


ROW_BLK = 400


def _tc_bundler(x_ref, p_ref, d_ref, w_ref, b_ref, o_ref):
    x = x_ref[...]
    p = jnp.concatenate([p_ref[0], p_ref[1]], axis=1)
    deg = d_ref[:, 0:1]
    c = p / jnp.maximum(deg, 1.0)
    w = w_ref[...]
    acc = (jnp.dot(x, w[:D], preferred_element_type=jnp.float32,
                   precision=lax.Precision.HIGHEST)
           + jnp.dot(c, w[D:], preferred_element_type=jnp.float32,
                     precision=lax.Precision.HIGHEST)
           + b_ref[...])
    nrm = jnp.sqrt(jnp.sum(acc * acc, axis=1, keepdims=True))
    o_ref[...] = jnp.maximum(acc / jnp.maximum(nrm, 1e-12), 0.0)


def kernel(x, edge_index, W, b):
    src = edge_index[0]
    dst = edge_index[1]
    pad = EPAD - E
    src_p = jnp.concatenate([src, jnp.zeros((pad,), jnp.int32)])
    dst_p = jnp.concatenate([dst, jnp.full((pad,), N, jnp.int32)])
    src_p = src_p.reshape(NS, NCHUNK, CHUNK)
    dst_p = dst_p.reshape(NS, NCHUNK, CHUNK)
    xh = x.reshape(N, NC, DH).transpose(1, 0, 2)

    psum, pdeg = _sc_aggregate(xh, src_p, dst_p)

    grid = N // ROW_BLK
    out = pl.pallas_call(
        _tc_bundler,
        grid=(grid,),
        in_specs=[
            pl.BlockSpec((ROW_BLK, D), lambda i: (i, 0)),
            pl.BlockSpec((NC, ROW_BLK, DH), lambda i: (0, i, 0)),
            pl.BlockSpec((ROW_BLK, DEGW), lambda i: (i, 0)),
            pl.BlockSpec((2 * D, D_OUT), lambda i: (0, 0)),
            pl.BlockSpec((1, D_OUT), lambda i: (0, 0)),
        ],
        out_specs=pl.BlockSpec((ROW_BLK, D_OUT), lambda i: (i, 0)),
        out_shape=jax.ShapeDtypeStruct((N, D_OUT), jnp.float32),
    )(x, psum, pdeg, W, b.reshape(1, D_OUT))
    return out

# --- scband reference (transcript-rebuilt; emitter-appended) ---
"""Pipeline reference for scband-graph-sage-layer-70265664963122 (READ-ONLY COPY).

The authoritative reference and input builder live on the scoring server;
editing this copy changes nothing except your own understanding.
"""

import jax, jax.numpy as jnp
import numpy as np

N = 10000
E = 320000
D = 128
D_OUT = 128


def setup_inputs(seed: int = 0) -> dict:
    key = jax.random.key(seed)
    k1, k2, k3 = jax.random.split(key, 3)
    x = jax.random.normal(k1, (N, D), dtype=jnp.float32)
    # edge_index[0] = src node ids, edge_index[1] = dst node ids
    edge_index = jax.random.randint(k2, (2, E), 0, N, dtype=jnp.int32)
    # Bundler linear: Linear(2*in_feats, out_feats, bias=True)
    W = jax.random.normal(k3, (2 * D, D_OUT), dtype=jnp.float32) * 0.05
    b = jnp.zeros((D_OUT,), dtype=jnp.float32)
    return {"x": x, "edge_index": edge_index, "W": W, "b": b}


def reference(x, edge_index, W, b):
    # GraphSageLayer forward with MeanAggregator + Bundler, dropout p=0.0 (identity).
    # g.update_all(copy_src('h' -> 'm'), mean-reduce -> 'c', bundler)
    src = edge_index[0]
    dst = edge_index[1]
    # message: copy source features along each edge (gather)
    msgs = jnp.take(x, src, axis=0)  # [E, D]
    # mean aggregation over incoming messages per destination node (scatter-add)
    summed = jax.ops.segment_sum(msgs, dst, num_segments=N)  # [N, D]
    deg = jax.ops.segment_sum(jnp.ones((E,), dtype=jnp.float32), dst, num_segments=N)
    c = summed / jnp.maximum(deg, 1.0)[:, None]
    # Bundler: concat(h, c) -> linear -> L2 normalize -> activation
    bundle = jnp.concatenate([x, c], axis=1) @ W + b  # [N, D_OUT]
    norm = jnp.linalg.norm(bundle, axis=1, keepdims=True)
    bundle = bundle / jnp.maximum(norm, 1e-12)
    h = jax.nn.relu(bundle)
    return h

if __name__ == "__main__":
    import jax
    _d = setup_inputs()
    print(jax.jit(kernel)(*tuple(_d.values())))

</pallas_src>

<mosaic_0001>
#map = affine_map<(d0, d1) -> (0, 0, 0)>
#map1 = affine_map<(d0, d1) -> (0, 0)>
module attributes {stable_mosaic.version = 14 : i64} {
  func.func @_sc_aggregate(%arg0: i32, %arg1: i32, %arg2: memref<2x10000x64xf32, #tpu.memory_space<hbm>>, %arg3: memref<16x158x128xi32, #tpu.memory_space<hbm>>, %arg4: memref<16x158x128xi32, #tpu.memory_space<hbm>>, %arg5: memref<2x10112x64xf32, #tpu.memory_space<hbm>>, %arg6: memref<10112x16xf32, #tpu.memory_space<hbm>>, %arg7: memref<10112x64xf32, #tpu.memory_space<vmem_shared>>, %arg8: memref<10112x16xf32, #tpu.memory_space<vmem_shared>>, %arg9: memref<79x64xf32, #tpu.memory_space<vmem>>, %arg10: memref<632x16xf32, #tpu.memory_space<vmem>>, %arg11: memref<128x16xf32, #tpu.memory_space<vmem>>, %arg12: memref<158x128xi32, #tpu.memory_space<vmem>>, %arg13: memref<158x128xi32, #tpu.memory_space<vmem>>, %arg14: memref<128x64xf32, #tpu.memory_space<vmem>>, %arg15: memref<128x64xf32, #tpu.memory_space<vmem>>, %arg16: memref<!tpu.dma_semaphore, #tpu.memory_space<semaphore_mem>>, %arg17: memref<!tpu.dma_semaphore, #tpu.memory_space<semaphore_mem>>) attributes {dimension_semantics = [#tpu.dimension_semantics<core_parallel>, #tpu.dimension_semantics<subcore_parallel>], iteration_bounds = array<i64: 2, 16>, scalar_prefetch = 0 : i64, scratch_operands = 11 : i64, tpu.core_type = #tpu.core_type<sc_vector_subcore>, window_params = [{transform_indices = #map}, {transform_indices = #map}, {transform_indices = #map}, {transform_indices = #map}, {transform_indices = #map1}]} {
    %broadcast_in_dim3A = arith.constant 0.000000e+00 : f32
    %broadcast_in_dim3A_0 = vector.broadcast %broadcast_in_dim3A : f32 to vector<16xf32>
    %broadcast_in_dim3A_1 = arith.constant 1.000000e+00 : f32
    %broadcast_in_dim3A_2 = vector.broadcast %broadcast_in_dim3A_1 : f32 to vector<16xf32>
    %scan3A = arith.constant 0 : i32
    %scan3A_3 = arith.constant 0 : i32
    %scan3A_4 = arith.constant 79 : i32
    %scan3A_5 = arith.addi %scan3A_3, %scan3A_4 : i32
    %scan3A_6 = arith.constant 1 : i32
    scf.for %scan3A_60 = %scan3A_3 to %scan3A_5 step %scan3A_6  : i32 {
      %swap3A = arith.index_cast %scan3A_60 : i32 to index
      %swap3A_61 = arith.constant 0 : index
      %swap3A_62 = tpu.vector_load %arg9[%swap3A, %swap3A_61] {strides = array<i32>} : memref<79x64xf32, #tpu.memory_space<vmem>>, vector<1x16xf32>,
      %swap3A_63 = vector.shape_cast %swap3A_62 : vector<1x16xf32> to vector<16xf32>
      %swap3A_64 = vector.shape_cast %broadcast_in_dim3A_0 : vector<16xf32> to vector<1x16xf32>
      tpu.vector_store %arg9[%swap3A, %swap3A_61], %swap3A_64 {strides = array<i32>} : memref<79x64xf32, #tpu.memory_space<vmem>>, vector<1x16xf32>,
      %swap3A_65 = arith.index_cast %scan3A_60 : i32 to index
      %swap3A_66 = arith.constant 16 : index
      %swap3A_67 = tpu.vector_load %arg9[%swap3A_65, %swap3A_66] {strides = array<i32>} : memref<79x64xf32, #tpu.memory_space<vmem>>, vector<1x16xf32>,
      %swap3A_68 = vector.shape_cast %swap3A_67 : vector<1x16xf32> to vector<16xf32>
      %swap3A_69 = vector.shape_cast %broadcast_in_dim3A_0 : vector<16xf32> to vector<1x16xf32>
      tpu.vector_store %arg9[%swap3A_65, %swap3A_66], %swap3A_69 {strides = array<i32>} : memref<79x64xf32, #tpu.memory_space<vmem>>, vector<1x16xf32>,
      %swap3A_70 = arith.index_cast %scan3A_60 : i32 to index
      %swap3A_71 = arith.constant 32 : index
      %swap3A_72 = tpu.vector_load %arg9[%swap3A_70, %swap3A_71] {strides = array<i32>} : memref<79x64xf32, #tpu.memory_space<vmem>>, vector<1x16xf32>,
      %swap3A_73 = vector.shape_cast %swap3A_72 : vector<1x16xf32> to vector<16xf32>
      %swap3A_74 = vector.shape_cast %broadcast_in_dim3A_0 : vector<16xf32> to vector<1x16xf32>
      tpu.vector_store %arg9[%swap3A_70, %swap3A_71], %swap3A_74 {strides = array<i32>} : memref<79x64xf32, #tpu.memory_space<vmem>>, vector<1x16xf32>,
      %swap3A_75 = arith.index_cast %scan3A_60 : i32 to index
      %swap3A_76 = arith.constant 48 : index
      %swap3A_77 = tpu.vector_load %arg9[%swap3A_75, %swap3A_76] {strides = array<i32>} : memref<79x64xf32, #tpu.memory_space<vmem>>, vector<1x16xf32>,
      %swap3A_78 = vector.shape_cast %swap3A_77 : vector<1x16xf32> to vector<16xf32>
      %swap3A_79 = vector.shape_cast %broadcast_in_dim3A_0 : vector<16xf32> to vector<1x16xf32>
      tpu.vector_store %arg9[%swap3A_75, %swap3A_76], %swap3A_79 {strides = array<i32>} : memref<79x64xf32, #tpu.memory_space<vmem>>, vector<1x16xf32>,
    }
    %scan3A_7 = arith.constant 79 : i32
    %scan3A_8 = arith.constant 0 : i32
    %scan3A_9 = arith.constant 0 : i32
    %scan3A_10 = arith.constant 632 : i32
    %scan3A_11 = arith.addi %scan3A_9, %scan3A_10 : i32
    %scan3A_12 = arith.constant 1 : i32
    scf.for %scan3A_60 = %scan3A_9 to %scan3A_11 step %scan3A_12  : i32 {
      %swap3A = arith.index_cast %scan3A_60 : i32 to index
      %swap3A_61 = arith.constant 0 : index
      %swap3A_62 = tpu.vector_load %arg10[%swap3A, %swap3A_61] {strides = array<i32>} : memref<632x16xf32, #tpu.memory_space<vmem>>, vector<1x16xf32>,
      %swap3A_63 = vector.shape_cast %swap3A_62 : vector<1x16xf32> to vector<16xf32>
      %swap3A_64 = vector.shape_cast %broadcast_in_dim3A_0 : vector<16xf32> to vector<1x16xf32>
      tpu.vector_store %arg10[%swap3A, %swap3A_61], %swap3A_64 {strides = array<i32>} : memref<632x16xf32, #tpu.memory_space<vmem>>, vector<1x16xf32>,
    }
    %scan3A_13 = arith.constant 632 : i32
    %scan3A_14 = arith.constant 0 : i32
    %scan3A_15 = arith.constant 0 : i32
    %scan3A_16 = arith.constant 128 : i32
    %scan3A_17 = arith.addi %scan3A_15, %scan3A_16 : i32
    %scan3A_18 = arith.constant 1 : i32
    scf.for %scan3A_60 = %scan3A_15 to %scan3A_17 step %scan3A_18  : i32 {
      %swap3A = arith.index_cast %scan3A_60 : i32 to index
      %swap3A_61 = arith.constant 0 : index
      %swap3A_62 = tpu.vector_load %arg11[%swap3A, %swap3A_61] {strides = array<i32>} : memref<128x16xf32, #tpu.memory_space<vmem>>, vector<1x16xf32>,
      %swap3A_63 = vector.shape_cast %swap3A_62 : vector<1x16xf32> to vector<16xf32>
      %swap3A_64 = vector.shape_cast %broadcast_in_dim3A_2 : vector<16xf32> to vector<1x16xf32>
      tpu.vector_store %arg11[%swap3A, %swap3A_61], %swap3A_64 {strides = array<i32>} : memref<128x16xf32, #tpu.memory_space<vmem>>, vector<1x16xf32>,
    }
    %scan3A_19 = arith.constant 128 : i32
    %mul3A = arith.constant 632 : i32
    %mul3A_20 = arith.muli %arg1, %mul3A : i32
    %add3A = arith.constant 0 : i32
    %add3A_21 = arith.addi %mul3A_20, %add3A : i32
    "tpu.region"() ({
      %run_scoped3A = tpu.sem_alloc : memref<!tpu.dma_semaphore, #tpu.memory_space<semaphore_mem>>
      %dma_start3A_60 = arith.constant 0 : i32
      %dma_start3A_61 = tpu.memref_slice %arg7[%add3A_21, %dma_start3A_60] : memref<10112x64xf32, #tpu.memory_space<vmem_shared>> -> memref<79x64xf32, #tpu.memory_space<vmem_shared>>
      %dma_start3A_62 = arith.constant 0 : i32
      %dma_start3A_63 = tpu.memref_slice %arg7[%add3A_21, %dma_start3A_62] : memref<10112x64xf32, #tpu.memory_space<vmem_shared>> -> memref<79x64xf32, #tpu.memory_space<vmem_shared>>
      tpu.enqueue_dma source(%arg9 : memref<79x64xf32, #tpu.memory_space<vmem>>) target(%dma_start3A_63 : memref<79x64xf32, #tpu.memory_space<vmem_shared>>) target_semaphore(%run_scoped3A : memref<!tpu.dma_semaphore, #tpu.memory_space<semaphore_mem>>)
      %dma_wait3A = arith.constant 0 : i32
      %dma_wait3A_64 = tpu.memref_slice %arg7[%add3A_21, %dma_wait3A] : memref<10112x64xf32, #tpu.memory_space<vmem_shared>> -> memref<79x64xf32, #tpu.memory_space<vmem_shared>>
      %dma_wait3A_65 = arith.constant 0 : i32
      %dma_wait3A_66 = tpu.memref_slice %arg7[%add3A_21, %dma_wait3A_65] : memref<10112x64xf32, #tpu.memory_space<vmem_shared>> -> memref<79x64xf32, #tpu.memory_space<vmem_shared>>
      tpu.wait_dma2 semaphore(%run_scoped3A : memref<!tpu.dma_semaphore, #tpu.memory_space<semaphore_mem>>) src(%arg9 : memref<79x64xf32, #tpu.memory_space<vmem>>) dst(%dma_wait3A_66 : memref<79x64xf32, #tpu.memory_space<vmem_shared>>)
      tpu.yield
    }) : () -> ()
    %add3A_22 = arith.constant 79 : i32
    %add3A_23 = arith.addi %mul3A_20, %add3A_22 : i32
    "tpu.region"() ({
      %run_scoped3A = tpu.sem_alloc : memref<!tpu.dma_semaphore, #tpu.memory_space<semaphore_mem>>
      %dma_start3A_60 = arith.constant 0 : i32
      %dma_start3A_61 = tpu.memref_slice %arg7[%add3A_23, %dma_start3A_60] : memref<10112x64xf32, #tpu.memory_space<vmem_shared>> -> memref<79x64xf32, #tpu.memory_space<vmem_shared>>
      %dma_start3A_62 = arith.constant 0 : i32
      %dma_start3A_63 = tpu.memref_slice %arg7[%add3A_23, %dma_start3A_62] : memref<10112x64xf32, #tpu.memory_space<vmem_shared>> -> memref<79x64xf32, #tpu.memory_space<vmem_shared>>
      tpu.enqueue_dma source(%arg9 : memref<79x64xf32, #tpu.memory_space<vmem>>) target(%dma_start3A_63 : memref<79x64xf32, #tpu.memory_space<vmem_shared>>) target_semaphore(%run_scoped3A : memref<!tpu.dma_semaphore, #tpu.memory_space<semaphore_mem>>)
      %dma_wait3A = arith.constant 0 : i32
      %dma_wait3A_64 = tpu.memref_slice %arg7[%add3A_23, %dma_wait3A] : memref<10112x64xf32, #tpu.memory_space<vmem_shared>> -> memref<79x64xf32, #tpu.memory_space<vmem_shared>>
      %dma_wait3A_65 = arith.constant 0 : i32
      %dma_wait3A_66 = tpu.memref_slice %arg7[%add3A_23, %dma_wait3A_65] : memref<10112x64xf32, #tpu.memory_space<vmem_shared>> -> memref<79x64xf32, #tpu.memory_space<vmem_shared>>
      tpu.wait_dma2 semaphore(%run_scoped3A : memref<!tpu.dma_semaphore, #tpu.memory_space<semaphore_mem>>) src(%arg9 : memref<79x64xf32, #tpu.memory_space<vmem>>) dst(%dma_wait3A_66 : memref<79x64xf32, #tpu.memory_space<vmem_shared>>)
      tpu.yield
    }) : () -> ()
    %add3A_24 = arith.constant 158 : i32
    %add3A_25 = arith.addi %mul3A_20, %add3A_24 : i32
    "tpu.region"() ({
      %run_scoped3A = tpu.sem_alloc : memref<!tpu.dma_semaphore, #tpu.memory_space<semaphore_mem>>
      %dma_start3A_60 = arith.constant 0 : i32
      %dma_start3A_61 = tpu.memref_slice %arg7[%add3A_25, %dma_start3A_60] : memref<10112x64xf32, #tpu.memory_space<vmem_shared>> -> memref<79x64xf32, #tpu.memory_space<vmem_shared>>
      %dma_start3A_62 = arith.constant 0 : i32
      %dma_start3A_63 = tpu.memref_slice %arg7[%add3A_25, %dma_start3A_62] : memref<10112x64xf32, #tpu.memory_space<vmem_shared>> -> memref<79x64xf32, #tpu.memory_space<vmem_shared>>
      tpu.enqueue_dma source(%arg9 : memref<79x64xf32, #tpu.memory_space<vmem>>) target(%dma_start3A_63 : memref<79x64xf32, #tpu.memory_space<vmem_shared>>) target_semaphore(%run_scoped3A : memref<!tpu.dma_semaphore, #tpu.memory_space<semaphore_mem>>)
      %dma_wait3A = arith.constant 0 : i32
      %dma_wait3A_64 = tpu.memref_slice %arg7[%add3A_25, %dma_wait3A] : memref<10112x64xf32, #tpu.memory_space<vmem_shared>> -> memref<79x64xf32, #tpu.memory_space<vmem_shared>>
      %dma_wait3A_65 = arith.constant 0 : i32
      %dma_wait3A_66 = tpu.memref_slice %arg7[%add3A_25, %dma_wait3A_65] : memref<10112x64xf32, #tpu.memory_space<vmem_shared>> -> memref<79x64xf32, #tpu.memory_space<vmem_shared>>
      tpu.wait_dma2 semaphore(%run_scoped3A : memref<!tpu.dma_semaphore, #tpu.memory_space<semaphore_mem>>) src(%arg9 : memref<79x64xf32, #tpu.memory_space<vmem>>) dst(%dma_wait3A_66 : memref<79x64xf32, #tpu.memory_space<vmem_shared>>)
      tpu.yield
    }) : () -> ()
    %add3A_26 = arith.constant 237 : i32
    %add3A_27 = arith.addi %mul3A_20, %add3A_26 : i32
    "tpu.region"() ({
      %run_scoped3A = tpu.sem_alloc : memref<!tpu.dma_semaphore, #tpu.memory_space<semaphore_mem>>
      %dma_start3A_60 = arith.constant 0 : i32
      %dma_start3A_61 = tpu.memref_slice %arg7[%add3A_27, %dma_start3A_60] : memref<10112x64xf32, #tpu.memory_space<vmem_shared>> -> memref<79x64xf32, #tpu.memory_space<vmem_shared>>
      %dma_start3A_62 = arith.constant 0 : i32
      %dma_start3A_63 = tpu.memref_slice %arg7[%add3A_27, %dma_start3A_62] : memref<10112x64xf32, #tpu.memory_space<vmem_shared>> -> memref<79x64xf32, #tpu.memory_space<vmem_shared>>
      tpu.enqueue_dma source(%arg9 : memref<79x64xf32, #tpu.memory_space<vmem>>) target(%dma_start3A_63 : memref<79x64xf32, #tpu.memory_space<vmem_shared>>) target_semaphore(%run_scoped3A : memref<!tpu.dma_semaphore, #tpu.memory_space<semaphore_mem>>)
      %dma_wait3A = arith.constant 0 : i32
      %dma_wait3A_64 = tpu.memref_slice %arg7[%add3A_27, %dma_wait3A] : memref<10112x64xf32, #tpu.memory_space<vmem_shared>> -> memref<79x64xf32, #tpu.memory_space<vmem_shared>>
      %dma_wait3A_65 = arith.constant 0 : i32
      %dma_wait3A_66 = tpu.memref_slice %arg7[%add3A_27, %dma_wait3A_65] : memref<10112x64xf32, #tpu.memory_space<vmem_shared>> -> memref<79x64xf32, #tpu.memory_space<vmem_shared>>
      tpu.wait_dma2 semaphore(%run_scoped3A : memref<!tpu.dma_semaphore, #tpu.memory_space<semaphore_mem>>) src(%arg9 : memref<79x64xf32, #tpu.memory_space<vmem>>) dst(%dma_wait3A_66 : memref<79x64xf32, #tpu.memory_space<vmem_shared>>)
      tpu.yield
    }) : () -> ()
    %add3A_28 = arith.constant 316 : i32
    %add3A_29 = arith.addi %mul3A_20, %add3A_28 : i32
    "tpu.region"() ({
      %run_scoped3A = tpu.sem_alloc : memref<!tpu.dma_semaphore, #tpu.memory_space<semaphore_mem>>
      %dma_start3A_60 = arith.constant 0 : i32
      %dma_start3A_61 = tpu.memref_slice %arg7[%add3A_29, %dma_start3A_60] : memref<10112x64xf32, #tpu.memory_space<vmem_shared>> -> memref<79x64xf32, #tpu.memory_space<vmem_shared>>
      %dma_start3A_62 = arith.constant 0 : i32
      %dma_start3A_63 = tpu.memref_slice %arg7[%add3A_29, %dma_start3A_62] : memref<10112x64xf32, #tpu.memory_space<vmem_shared>> -> memref<79x64xf32, #tpu.memory_space<vmem_shared>>
      tpu.enqueue_dma source(%arg9 : memref<79x64xf32, #tpu.memory_space<vmem>>) target(%dma_start3A_63 : memref<79x64xf32, #tpu.memory_space<vmem_shared>>) target_semaphore(%run_scoped3A : memref<!tpu.dma_semaphore, #tpu.memory_space<semaphore_mem>>)
      %dma_wait3A = arith.constant 0 : i32
      %dma_wait3A_64 = tpu.memref_slice %arg7[%add3A_29, %dma_wait3A] : memref<10112x64xf32, #tpu.memory_space<vmem_shared>> -> memref<79x64xf32, #tpu.memory_space<vmem_shared>>
      %dma_wait3A_65 = arith.constant 0 : i32
      %dma_wait3A_66 = tpu.memref_slice %arg7[%add3A_29, %dma_wait3A_65] : memref<10112x64xf32, #tpu.memory_space<vmem_shared>> -> memref<79x64xf32, #tpu.memory_space<vmem_shared>>
      tpu.wait_dma2 semaphore(%run_scoped3A : memref<!tpu.dma_semaphore, #tpu.memory_space<semaphore_mem>>) src(%arg9 : memref<79x64xf32, #tpu.memory_space<vmem>>) dst(%dma_wait3A_66 : memref<79x64xf32, #tpu.memory_space<vmem_shared>>)
      tpu.yield
    }) : () -> ()
    %add3A_30 = arith.constant 395 : i32
    %add3A_31 = arith.addi %mul3A_20, %add3A_30 : i32
    "tpu.region"() ({
      %run_scoped3A = tpu.sem_alloc : memref<!tpu.dma_semaphore, #tpu.memory_space<semaphore_mem>>
      %dma_start3A_60 = arith.constant 0 : i32
      %dma_start3A_61 = tpu.memref_slice %arg7[%add3A_31, %dma_start3A_60] : memref<10112x64xf32, #tpu.memory_space<vmem_shared>> -> memref<79x64xf32, #tpu.memory_space<vmem_shared>>
      %dma_start3A_62 = arith.constant 0 : i32
      %dma_start3A_63 = tpu.memref_slice %arg7[%add3A_31, %dma_start3A_62] : memref<10112x64xf32, #tpu.memory_space<vmem_shared>> -> memref<79x64xf32, #tpu.memory_space<vmem_shared>>
      tpu.enqueue_dma source(%arg9 : memref<79x64xf32, #tpu.memory_space<vmem>>) target(%dma_start3A_63 : memref<79x64xf32, #tpu.memory_space<vmem_shared>>) target_semaphore(%run_scoped3A : memref<!tpu.dma_semaphore, #tpu.memory_space<semaphore_mem>>)
      %dma_wait3A = arith.constant 0 : i32
      %dma_wait3A_64 = tpu.memref_slice %arg7[%add3A_31, %dma_wait3A] : memref<10112x64xf32, #tpu.memory_space<vmem_shared>> -> memref<79x64xf32, #tpu.memory_space<vmem_shared>>
      %dma_wait3A_65 = arith.constant 0 : i32
      %dma_wait3A_66 = tpu.memref_slice %arg7[%add3A_31, %dma_wait3A_65] : memref<10112x64xf32, #tpu.memory_space<vmem_shared>> -> memref<79x64xf32, #tpu.memory_space<vmem_shared>>
      tpu.wait_dma2 semaphore(%run_scoped3A : memref<!tpu.dma_semaphore, #tpu.memory_space<semaphore_mem>>) src(%arg9 : memref<79x64xf32, #tpu.memory_space<vmem>>) dst(%dma_wait3A_66 : memref<79x64xf32, #tpu.memory_space<vmem_shared>>)
      tpu.yield
    }) : () -> ()
    %add3A_32 = arith.constant 474 : i32
    %add3A_33 = arith.addi %mul3A_20, %add3A_32 : i32
    "tpu.region"() ({
      %run_scoped3A = tpu.sem_alloc : memref<!tpu.dma_semaphore, #tpu.memory_space<semaphore_mem>>
      %dma_start3A_60 = arith.constant 0 : i32
      %dma_start3A_61 = tpu.memref_slice %arg7[%add3A_33, %dma_start3A_60] : memref<10112x64xf32, #tpu.memory_space<vmem_shared>> -> memref<79x64xf32, #tpu.memory_space<vmem_shared>>
      %dma_start3A_62 = arith.constant 0 : i32
      %dma_start3A_63 = tpu.memref_slice %arg7[%add3A_33, %dma_start3A_62] : memref<10112x64xf32, #tpu.memory_space<vmem_shared>> -> memref<79x64xf32, #tpu.memory_space<vmem_shared>>
      tpu.enqueue_dma source(%arg9 : memref<79x64xf32, #tpu.memory_space<vmem>>) target(%dma_start3A_63 : memref<79x64xf32, #tpu.memory_space<vmem_shared>>) target_semaphore(%run_scoped3A : memref<!tpu.dma_semaphore, #tpu.memory_space<semaphore_mem>>)
      %dma_wait3A = arith.constant 0 : i32
      %dma_wait3A_64 = tpu.memref_slice %arg7[%add3A_33, %dma_wait3A] : memref<10112x64xf32, #tpu.memory_space<vmem_shared>> -> memref<79x64xf32, #tpu.memory_space<vmem_shared>>
      %dma_wait3A_65 = arith.constant 0 : i32
      %dma_wait3A_66 = tpu.memref_slice %arg7[%add3A_33, %dma_wait3A_65] : memref<10112x64xf32, #tpu.memory_space<vmem_shared>> -> memref<79x64xf32, #tpu.memory_space<vmem_shared>>
      tpu.wait_dma2 semaphore(%run_scoped3A : memref<!tpu.dma_semaphore, #tpu.memory_space<semaphore_mem>>) src(%arg9 : memref<79x64xf32, #tpu.memory_space<vmem>>) dst(%dma_wait3A_66 : memref<79x64xf32, #tpu.memory_space<vmem_shared>>)
      tpu.yield
    }) : () -> ()
    %add3A_34 = arith.constant 553 : i32
    %add3A_35 = arith.addi %mul3A_20, %add3A_34 : i32
    "tpu.region"() ({
      %run_scoped3A = tpu.sem_alloc : memref<!tpu.dma_semaphore, #tpu.memory_space<semaphore_mem>>
      %dma_start3A_60 = arith.constant 0 : i32
      %dma_start3A_61 = tpu.memref_slice %arg7[%add3A_35, %dma_start3A_60] : memref<10112x64xf32, #tpu.memory_space<vmem_shared>> -> memref<79x64xf32, #tpu.memory_space<vmem_shared>>
      %dma_start3A_62 = arith.constant 0 : i32
      %dma_start3A_63 = tpu.memref_slice %arg7[%add3A_35, %dma_start3A_62] : memref<10112x64xf32, #tpu.memory_space<vmem_shared>> -> memref<79x64xf32, #tpu.memory_space<vmem_shared>>
      tpu.enqueue_dma source(%arg9 : memref<79x64xf32, #tpu.memory_space<vmem>>) target(%dma_start3A_63 : memref<79x64xf32, #tpu.memory_space<vmem_shared>>) target_semaphore(%run_scoped3A : memref<!tpu.dma_semaphore, #tpu.memory_space<semaphore_mem>>)
      %dma_wait3A = arith.constant 0 : i32
      %dma_wait3A_64 = tpu.memref_slice %arg7[%add3A_35, %dma_wait3A] : memref<10112x64xf32, #tpu.memory_space<vmem_shared>> -> memref<79x64xf32, #tpu.memory_space<vmem_shared>>
      %dma_wait3A_65 = arith.constant 0 : i32
      %dma_wait3A_66 = tpu.memref_slice %arg7[%add3A_35, %dma_wait3A_65] : memref<10112x64xf32, #tpu.memory_space<vmem_shared>> -> memref<79x64xf32, #tpu.memory_space<vmem_shared>>
      tpu.wait_dma2 semaphore(%run_scoped3A : memref<!tpu.dma_semaphore, #tpu.memory_space<semaphore_mem>>) src(%arg9 : memref<79x64xf32, #tpu.memory_space<vmem>>) dst(%dma_wait3A_66 : memref<79x64xf32, #tpu.memory_space<vmem_shared>>)
      tpu.yield
    }) : () -> ()
    %eq3A = arith.constant 0 : i32
    %eq3A_36 = arith.cmpi eq, %arg0, %eq3A : i32
    %convert_element_type3A = arith.extui %eq3A_36 : i1 to i32
    %cond3A = arith.constant 0 : i32
    %cond3A_37 = arith.cmpi ne, %convert_element_type3A, %cond3A : i32
    scf.if %cond3A_37 {
      "tpu.region"() ({
        %run_scoped3A = tpu.sem_alloc : memref<!tpu.dma_semaphore, #tpu.memory_space<semaphore_mem>>
        %dma_start3A_60 = arith.constant 0 : i32
        %dma_start3A_61 = tpu.memref_slice %arg8[%mul3A_20, %dma_start3A_60] : memref<10112x16xf32, #tpu.memory_space<vmem_shared>> -> memref<632x16xf32, #tpu.memory_space<vmem_shared>>
        %dma_start3A_62 = arith.constant 0 : i32
        %dma_start3A_63 = tpu.memref_slice %arg8[%mul3A_20, %dma_start3A_62] : memref<10112x16xf32, #tpu.memory_space<vmem_shared>> -> memref<632x16xf32, #tpu.memory_space<vmem_shared>>
        tpu.enqueue_dma source(%arg10 : memref<632x16xf32, #tpu.memory_space<vmem>>) target(%dma_start3A_63 : memref<632x16xf32, #tpu.memory_space<vmem_shared>>) target_semaphore(%run_scoped3A : memref<!tpu.dma_semaphore, #tpu.memory_space<semaphore_mem>>)
        %dma_wait3A = arith.constant 0 : i32
        %dma_wait3A_64 = tpu.memref_slice %arg8[%mul3A_20, %dma_wait3A] : memref<10112x16xf32, #tpu.memory_space<vmem_shared>> -> memref<632x16xf32, #tpu.memory_space<vmem_shared>>
        %dma_wait3A_65 = arith.constant 0 : i32
        %dma_wait3A_66 = tpu.memref_slice %arg8[%mul3A_20, %dma_wait3A_65] : memref<10112x16xf32, #tpu.memory_space<vmem_shared>> -> memref<632x16xf32, #tpu.memory_space<vmem_shared>>
        tpu.wait_dma2 semaphore(%run_scoped3A : memref<!tpu.dma_semaphore, #tpu.memory_space<semaphore_mem>>) src(%arg10 : memref<632x16xf32, #tpu.memory_space<vmem>>) dst(%dma_wait3A_66 : memref<632x16xf32, #tpu.memory_space<vmem_shared>>)
        tpu.yield
      }) : () -> ()
    } else {
    }
    %barrier3A = arith.constant 0 : index
    tpu.barrier barrier_id(%barrier3A)
    "tpu.region"() ({
      %run_scoped3A = tpu.sem_alloc : memref<!tpu.dma_semaphore, #tpu.memory_space<semaphore_mem>>
      %dma_start3A_60 = arith.constant 0 : i32
      %dma_start3A_61 = arith.constant 0 : i32
      %dma_start3A_62 = tpu.memref_slice %arg3[%arg1, %dma_start3A_60, %dma_start3A_61] : memref<16x158x128xi32, #tpu.memory_space<hbm>> -> memref<1x158x128xi32, #tpu.memory_space<hbm>>
      %dma_start3A_63 = tpu.memref_squeeze %dma_start3A_62 : memref<1x158x128xi32, #tpu.memory_space<hbm>> -> memref<158x128xi32, #tpu.memory_space<hbm>>
      %dma_start3A_64 = arith.constant 0 : i32
      %dma_start3A_65 = arith.constant 0 : i32
      %dma_start3A_66 = tpu.memref_slice %arg3[%arg1, %dma_start3A_64, %dma_start3A_65] : memref<16x158x128xi32, #tpu.memory_space<hbm>> -> memref<1x158x128xi32, #tpu.memory_space<hbm>>
      %dma_start3A_67 = tpu.memref_squeeze %dma_start3A_66 : memref<1x158x128xi32, #tpu.memory_space<hbm>> -> memref<158x128xi32, #tpu.memory_space<hbm>>
      tpu.enqueue_dma source(%dma_start3A_67 : memref<158x128xi32, #tpu.memory_space<hbm>>) target(%arg12 : memref<158x128xi32, #tpu.memory_space<vmem>>) target_semaphore(%run_scoped3A : memref<!tpu.dma_semaphore, #tpu.memory_space<semaphore_mem>>)
      %dma_wait3A = arith.constant 0 : i32
      %dma_wait3A_68 = arith.constant 0 : i32
      %dma_wait3A_69 = tpu.memref_slice %arg3[%arg1, %dma_wait3A, %dma_wait3A_68] : memref<16x158x128xi32, #tpu.memory_space<hbm>> -> memref<1x158x128xi32, #tpu.memory_space<hbm>>
      %dma_wait3A_70 = tpu.memref_squeeze %dma_wait3A_69 : memref<1x158x128xi32, #tpu.memory_space<hbm>> -> memref<158x128xi32, #tpu.memory_space<hbm>>
      %dma_wait3A_71 = arith.constant 0 : i32
      %dma_wait3A_72 = arith.constant 0 : i32
      %dma_wait3A_73 = tpu.memref_slice %arg3[%arg1, %dma_wait3A_71, %dma_wait3A_72] : memref<16x158x128xi32, #tpu.memory_space<hbm>> -> memref<1x158x128xi32, #tpu.memory_space<hbm>>
      %dma_wait3A_74 = tpu.memref_squeeze %dma_wait3A_73 : memref<1x158x128xi32, #tpu.memory_space<hbm>> -> memref<158x128xi32, #tpu.memory_space<hbm>>
      tpu.wait_dma2 semaphore(%run_scoped3A : memref<!tpu.dma_semaphore, #tpu.memory_space<semaphore_mem>>) src(%dma_wait3A_74 : memref<158x128xi32, #tpu.memory_space<hbm>>) dst(%arg12 : memref<158x128xi32, #tpu.memory_space<vmem>>)
      tpu.yield
    }) : () -> ()
    "tpu.region"() ({
      %run_scoped3A = tpu.sem_alloc : memref<!tpu.dma_semaphore, #tpu.memory_space<semaphore_mem>>
      %dma_start3A_60 = arith.constant 0 : i32
      %dma_start3A_61 = arith.constant 0 : i32
      %dma_start3A_62 = tpu.memref_slice %arg4[%arg1, %dma_start3A_60, %dma_start3A_61] : memref<16x158x128xi32, #tpu.memory_space<hbm>> -> memref<1x158x128xi32, #tpu.memory_space<hbm>>
      %dma_start3A_63 = tpu.memref_squeeze %dma_start3A_62 : memref<1x158x128xi32, #tpu.memory_space<hbm>> -> memref<158x128xi32, #tpu.memory_space<hbm>>
      %dma_start3A_64 = arith.constant 0 : i32
      %dma_start3A_65 = arith.constant 0 : i32
      %dma_start3A_66 = tpu.memref_slice %arg4[%arg1, %dma_start3A_64, %dma_start3A_65] : memref<16x158x128xi32, #tpu.memory_space<hbm>> -> memref<1x158x128xi32, #tpu.memory_space<hbm>>
      %dma_start3A_67 = tpu.memref_squeeze %dma_start3A_66 : memref<1x158x128xi32, #tpu.memory_space<hbm>> -> memref<158x128xi32, #tpu.memory_space<hbm>>
      tpu.enqueue_dma source(%dma_start3A_67 : memref<158x128xi32, #tpu.memory_space<hbm>>) target(%arg13 : memref<158x128xi32, #tpu.memory_space<vmem>>) target_semaphore(%run_scoped3A : memref<!tpu.dma_semaphore, #tpu.memory_space<semaphore_mem>>)
      %dma_wait3A = arith.constant 0 : i32
      %dma_wait3A_68 = arith.constant 0 : i32
      %dma_wait3A_69 = tpu.memref_slice %arg4[%arg1, %dma_wait3A, %dma_wait3A_68] : memref<16x158x128xi32, #tpu.memory_space<hbm>> -> memref<1x158x128xi32, #tpu.memory_space<hbm>>
      %dma_wait3A_70 = tpu.memref_squeeze %dma_wait3A_69 : memref<1x158x128xi32, #tpu.memory_space<hbm>> -> memref<158x128xi32, #tpu.memory_space<hbm>>
      %dma_wait3A_71 = arith.constant 0 : i32
      %dma_wait3A_72 = arith.constant 0 : i32
      %dma_wait3A_73 = tpu.memref_slice %arg4[%arg1, %dma_wait3A_71, %dma_wait3A_72] : memref<16x158x128xi32, #tpu.memory_space<hbm>> -> memref<1x158x128xi32, #tpu.memory_space<hbm>>
      %dma_wait3A_74 = tpu.memref_squeeze %dma_wait3A_73 : memref<1x158x128xi32, #tpu.memory_space<hbm>> -> memref<158x128xi32, #tpu.memory_space<hbm>>
      tpu.wait_dma2 semaphore(%run_scoped3A : memref<!tpu.dma_semaphore, #tpu.memory_space<semaphore_mem>>) src(%dma_wait3A_74 : memref<158x128xi32, #tpu.memory_space<hbm>>) dst(%arg13 : memref<158x128xi32, #tpu.memory_space<vmem>>)
      tpu.yield
    }) : () -> ()
    %dma_start3A = arith.constant 0 : i32
    %dma_start3A_38 = arith.constant 0 : i32
    %dma_start3A_39 = tpu.memref_slice %arg12[%dma_start3A, %dma_start3A_38] : memref<158x128xi32, #tpu.memory_space<vmem>> -> memref<1x128xi32, #tpu.memory_space<vmem>>
    %dma_start3A_40 = tpu.memref_squeeze %dma_start3A_39 : memref<1x128xi32, #tpu.memory_space<vmem>> -> memref<128xi32, #tpu.memory_space<vmem>>
    %dma_start3A_41 = arith.constant 0 : i32
    %dma_start3A_42 = arith.constant 0 : i32
    %dma_start3A_43 = tpu.memref_slice %arg2[%arg0, %dma_start3A_41, %dma_start3A_42] : memref<2x10000x64xf32, #tpu.memory_space<hbm>> -> memref<1x10000x64xf32, #tpu.memory_space<hbm>>
    %dma_start3A_44 = tpu.memref_squeeze %dma_start3A_43 : memref<1x10000x64xf32, #tpu.memory_space<hbm>> -> memref<10000x64xf32, #tpu.memory_space<hbm>>
    %dma_start3A_45 = arith.constant 0 : i32
    %dma_start3A_46 = arith.constant 0 : i32
    %dma_start3A_47 = tpu.memref_slice %dma_start3A_44[%dma_start3A_45, %dma_start3A_46] : memref<10000x64xf32, #tpu.memory_space<hbm>> -> memref<10000x64xf32, #tpu.memory_space<hbm>>
    tpu.enqueue_indirect_dma source(%dma_start3A_47 : memref<10000x64xf32, #tpu.memory_space<hbm>>) target(%arg14 : memref<128x64xf32, #tpu.memory_space<vmem>>) offsets(%dma_start3A_40 : memref<128xi32, #tpu.memory_space<vmem>>) semaphore(%arg16 : memref<!tpu.dma_semaphore, #tpu.memory_space<semaphore_mem>>)
    %scan3A_48 = arith.constant 0 : i32
    %scan3A_49 = arith.constant 0 : i32
    %scan3A_50 = arith.constant 79 : i32
    %scan3A_51 = arith.addi %scan3A_49, %scan3A_50 : i32
    %scan3A_52 = arith.constant 1 : i32
    scf.for %scan3A_60 = %scan3A_49 to %scan3A_51 step %scan3A_52  : i32 {
      %mul3A_61 = arith.constant 2 : i32
      %mul3A_62 = arith.muli %scan3A_60, %mul3A_61 : i32
      %add3A_63 = arith.constant 1 : i32
      %add3A_64 = arith.addi %mul3A_62, %add3A_63 : i32
      %dma_start3A_65 = arith.constant 0 : i32
      %dma_start3A_66 = tpu.memref_slice %arg12[%add3A_64, %dma_start3A_65] : memref<158x128xi32, #tpu.memory_space<vmem>> -> memref<1x128xi32, #tpu.memory_space<vmem>>
      %dma_start3A_67 = tpu.memref_squeeze %dma_start3A_66 : memref<1x128xi32, #tpu.memory_space<vmem>> -> memref<128xi32, #tpu.memory_space<vmem>>
      %dma_start3A_68 = arith.constant 0 : i32
      %dma_start3A_69 = arith.constant 0 : i32
      %dma_start3A_70 = tpu.memref_slice %arg2[%arg0, %dma_start3A_68, %dma_start3A_69] : memref<2x10000x64xf32, #tpu.memory_space<hbm>> -> memref<1x10000x64xf32, #tpu.memory_space<hbm>>
      %dma_start3A_71 = tpu.memref_squeeze %dma_start3A_70 : memref<1x10000x64xf32, #tpu.memory_space<hbm>> -> memref<10000x64xf32, #tpu.memory_space<hbm>>
      %dma_start3A_72 = arith.constant 0 : i32
      %dma_start3A_73 = arith.constant 0 : i32
      %dma_start3A_74 = tpu.memref_slice %dma_start3A_71[%dma_start3A_72, %dma_start3A_73] : memref<10000x64xf32, #tpu.memory_space<hbm>> -> memref<10000x64xf32, #tpu.memory_space<hbm>>
      tpu.enqueue_indirect_dma source(%dma_start3A_74 : memref<10000x64xf32, #tpu.memory_space<hbm>>) target(%arg15 : memref<128x64xf32, #tpu.memory_space<vmem>>) offsets(%dma_start3A_67 : memref<128xi32, #tpu.memory_space<vmem>>) semaphore(%arg17 : memref<!tpu.dma_semaphore, #tpu.memory_space<semaphore_mem>>)
      %dma_wait3A = arith.constant 0 : i32
      %dma_wait3A_75 = tpu.memref_slice %arg12[%mul3A_62, %dma_wait3A] : memref<158x128xi32, #tpu.memory_space<vmem>> -> memref<1x128xi32, #tpu.memory_space<vmem>>
      %dma_wait3A_76 = tpu.memref_squeeze %dma_wait3A_75 : memref<1x128xi32, #tpu.memory_space<vmem>> -> memref<128xi32, #tpu.memory_space<vmem>>
      %dma_wait3A_77 = arith.constant 0 : i32
      %dma_wait3A_78 = arith.constant 0 : i32
      %dma_wait3A_79 = tpu.memref_slice %arg2[%arg0, %dma_wait3A_77, %dma_wait3A_78] : memref<2x10000x64xf32, #tpu.memory_space<hbm>> -> memref<1x10000x64xf32, #tpu.memory_space<hbm>>
      %dma_wait3A_80 = tpu.memref_squeeze %dma_wait3A_79 : memref<1x10000x64xf32, #tpu.memory_space<hbm>> -> memref<10000x64xf32, #tpu.memory_space<hbm>>
      %dma_wait3A_81 = arith.constant 0 : i32
      %dma_wait3A_82 = arith.constant 0 : i32
      %dma_wait3A_83 = tpu.memref_slice %dma_wait3A_80[%dma_wait3A_81, %dma_wait3A_82] : memref<10000x64xf32, #tpu.memory_space<hbm>> -> memref<10000x64xf32, #tpu.memory_space<hbm>>
      tpu.wait_indirect_dma semaphore(%arg16 : memref<!tpu.dma_semaphore, #tpu.memory_space<semaphore_mem>>) src(%dma_wait3A_83 : memref<10000x64xf32, #tpu.memory_space<hbm>>) dst(%arg14 : memref<128x64xf32, #tpu.memory_space<vmem>>)
      "tpu.region"() ({
        %run_scoped3A = tpu.sem_alloc : memref<!tpu.dma_semaphore, #tpu.memory_space<semaphore_mem>>
        %dma_start3A_112 = arith.constant 0 : i32
        %dma_start3A_113 = tpu.memref_slice %arg13[%mul3A_62, %dma_start3A_112] : memref<158x128xi32, #tpu.memory_space<vmem>> -> memref<1x128xi32, #tpu.memory_space<vmem>>
        %dma_start3A_114 = tpu.memref_squeeze %dma_start3A_113 : memref<1x128xi32, #tpu.memory_space<vmem>> -> memref<128xi32, #tpu.memory_space<vmem>>
        %dma_start3A_115 = arith.constant 0 : i32
        %dma_start3A_116 = arith.constant 0 : i32
        %dma_start3A_117 = tpu.memref_slice %arg7[%dma_start3A_115, %dma_start3A_116] : memref<10112x64xf32, #tpu.memory_space<vmem_shared>> -> memref<10112x64xf32, #tpu.memory_space<vmem_shared>>
        tpu.enqueue_indirect_dma source(%arg14 : memref<128x64xf32, #tpu.memory_space<vmem>>) target(%dma_start3A_117 : memref<10112x64xf32, #tpu.memory_space<vmem_shared>>) offsets(%dma_start3A_114 : memref<128xi32, #tpu.memory_space<vmem>>) semaphore(%run_scoped3A : memref<!tpu.dma_semaphore, #tpu.memory_space<semaphore_mem>>) {add = true}
        %dma_wait3A_118 = arith.constant 0 : i32
        %dma_wait3A_119 = tpu.memref_slice %arg13[%mul3A_62, %dma_wait3A_118] : memref<158x128xi32, #tpu.memory_space<vmem>> -> memref<1x128xi32, #tpu.memory_space<vmem>>
        %dma_wait3A_120 = tpu.memref_squeeze %dma_wait3A_119 : memref<1x128xi32, #tpu.memory_space<vmem>> -> memref<128xi32, #tpu.memory_space<vmem>>
        %dma_wait3A_121 = arith.constant 0 : i32
        %dma_wait3A_122 = arith.constant 0 : i32
        %dma_wait3A_123 = tpu.memref_slice %arg7[%dma_wait3A_121, %dma_wait3A_122] : memref<10112x64xf32, #tpu.memory_space<vmem_shared>> -> memref<10112x64xf32, #tpu.memory_space<vmem_shared>>
        tpu.wait_indirect_dma semaphore(%run_scoped3A : memref<!tpu.dma_semaphore, #tpu.memory_space<semaphore_mem>>) src(%arg14 : memref<128x64xf32, #tpu.memory_space<vmem>>) dst(%dma_wait3A_123 : memref<10112x64xf32, #tpu.memory_space<vmem_shared>>)
        tpu.yield
      }) : () -> ()
      %eq3A_84 = arith.constant 0 : i32
      %eq3A_85 = arith.cmpi eq, %arg0, %eq3A_84 : i32
      %convert_element_type3A_86 = arith.extui %eq3A_85 : i1 to i32
      %cond3A_87 = arith.constant 0 : i32
      %cond3A_88 = arith.cmpi ne, %convert_element_type3A_86, %cond3A_87 : i32
      scf.if %cond3A_88 {
        "tpu.region"() ({
          %run_scoped3A = tpu.sem_alloc : memref<!tpu.dma_semaphore, #tpu.memory_space<semaphore_mem>>
          %dma_start3A_112 = arith.constant 0 : i32
          %dma_start3A_113 = tpu.memref_slice %arg13[%mul3A_62, %dma_start3A_112] : memref<158x128xi32, #tpu.memory_space<vmem>> -> memref<1x128xi32, #tpu.memory_space<vmem>>
          %dma_start3A_114 = tpu.memref_squeeze %dma_start3A_113 : memref<1x128xi32, #tpu.memory_space<vmem>> -> memref<128xi32, #tpu.memory_space<vmem>>
          %dma_start3A_115 = arith.constant 0 : i32
          %dma_start3A_116 = arith.constant 0 : i32
          %dma_start3A_117 = tpu.memref_slice %arg8[%dma_start3A_115, %dma_start3A_116] : memref<10112x16xf32, #tpu.memory_space<vmem_shared>> -> memref<10112x16xf32, #tpu.memory_space<vmem_shared>>
          tpu.enqueue_indirect_dma source(%arg11 : memref<128x16xf32, #tpu.memory_space<vmem>>) target(%dma_start3A_117 : memref<10112x16xf32, #tpu.memory_space<vmem_shared>>) offsets(%dma_start3A_114 : memref<128xi32, #tpu.memory_space<vmem>>) semaphore(%run_scoped3A : memref<!tpu.dma_semaphore, #tpu.memory_space<semaphore_mem>>) {add = true}
          %dma_wait3A_118 = arith.constant 0 : i32
          %dma_wait3A_119 = tpu.memref_slice %arg13[%mul3A_62, %dma_wait3A_118] : memref<158x128xi32, #tpu.memory_space<vmem>> -> memref<1x128xi32, #tpu.memory_space<vmem>>
          %dma_wait3A_120 = tpu.memref_squeeze %dma_wait3A_119 : memref<1x128xi32, #tpu.memory_space<vmem>> -> memref<128xi32, #tpu.memory_space<vmem>>
          %dma_wait3A_121 = arith.constant 0 : i32
          %dma_wait3A_122 = arith.constant 0 : i32
          %dma_wait3A_123 = tpu.memref_slice %arg8[%dma_wait3A_121, %dma_wait3A_122] : memref<10112x16xf32, #tpu.memory_space<vmem_shared>> -> memref<10112x16xf32, #tpu.memory_space<vmem_shared>>
          tpu.wait_indirect_dma semaphore(%run_scoped3A : memref<!tpu.dma_semaphore, #tpu.memory_space<semaphore_mem>>) src(%arg11 : memref<128x16xf32, #tpu.memory_space<vmem>>) dst(%dma_wait3A_123 : memref<10112x16xf32, #tpu.memory_space<vmem_shared>>)
          tpu.yield
        }) : () -> ()
      } else {
      }
      %add3A_89 = arith.constant 2 : i32
      %add3A_90 = arith.addi %mul3A_62, %add3A_89 : i32
      %lt3A = arith.constant 158 : i32
      %lt3A_91 = arith.cmpi slt, %add3A_90, %lt3A : i32
      %convert_element_type3A_92 = arith.extui %lt3A_91 : i1 to i32
      %cond3A_93 = arith.constant 0 : i32
      %cond3A_94 = arith.cmpi ne, %convert_element_type3A_92, %cond3A_93 : i32
      scf.if %cond3A_94 {
        %add3A_112 = arith.constant 2 : i32
        %add3A_113 = arith.addi %mul3A_62, %add3A_112 : i32
        %dma_start3A_114 = arith.constant 0 : i32
        %dma_start3A_115 = tpu.memref_slice %arg12[%add3A_113, %dma_start3A_114] : memref<158x128xi32, #tpu.memory_space<vmem>> -> memref<1x128xi32, #tpu.memory_space<vmem>>
        %dma_start3A_116 = tpu.memref_squeeze %dma_start3A_115 : memref<1x128xi32, #tpu.memory_space<vmem>> -> memref<128xi32, #tpu.memory_space<vmem>>
        %dma_start3A_117 = arith.constant 0 : i32
        %dma_start3A_118 = arith.constant 0 : i32
        %dma_start3A_119 = tpu.memref_slice %arg2[%arg0, %dma_start3A_117, %dma_start3A_118] : memref<2x10000x64xf32, #tpu.memory_space<hbm>> -> memref<1x10000x64xf32, #tpu.memory_space<hbm>>
        %dma_start3A_120 = tpu.memref_squeeze %dma_start3A_119 : memref<1x10000x64xf32, #tpu.memory_space<hbm>> -> memref<10000x64xf32, #tpu.memory_space<hbm>>
        %dma_start3A_121 = arith.constant 0 : i32
        %dma_start3A_122 = arith.constant 0 : i32
        %dma_start3A_123 = tpu.memref_slice %dma_start3A_120[%dma_start3A_121, %dma_start3A_122] : memref<10000x64xf32, #tpu.memory_space<hbm>> -> memref<10000x64xf32, #tpu.memory_space<hbm>>
        tpu.enqueue_indirect_dma source(%dma_start3A_123 : memref<10000x64xf32, #tpu.memory_space<hbm>>) target(%arg14 : memref<128x64xf32, #tpu.memory_space<vmem>>) offsets(%dma_start3A_116 : memref<128xi32, #tpu.memory_space<vmem>>) semaphore(%arg16 : memref<!tpu.dma_semaphore, #tpu.memory_space<semaphore_mem>>)
      } else {
      }
      %add3A_95 = arith.constant 1 : i32
      %add3A_96 = arith.addi %mul3A_62, %add3A_95 : i32
      %dma_wait3A_97 = arith.constant 0 : i32
      %dma_wait3A_98 = tpu.memref_slice %arg12[%add3A_96, %dma_wait3A_97] : memref<158x128xi32, #tpu.memory_space<vmem>> -> memref<1x128xi32, #tpu.memory_space<vmem>>
      %dma_wait3A_99 = tpu.memref_squeeze %dma_wait3A_98 : memref<1x128xi32, #tpu.memory_space<vmem>> -> memref<128xi32, #tpu.memory_space<vmem>>
      %dma_wait3A_100 = arith.constant 0 : i32
      %dma_wait3A_101 = arith.constant 0 : i32
      %dma_wait3A_102 = tpu.memref_slice %arg2[%arg0, %dma_wait3A_100, %dma_wait3A_101] : memref<2x10000x64xf32, #tpu.memory_space<hbm>> -> memref<1x10000x64xf32, #tpu.memory_space<hbm>>
      %dma_wait3A_103 = tpu.memref_squeeze %dma_wait3A_102 : memref<1x10000x64xf32, #tpu.memory_space<hbm>> -> memref<10000x64xf32, #tpu.memory_space<hbm>>
      %dma_wait3A_104 = arith.constant 0 : i32
      %dma_wait3A_105 = arith.constant 0 : i32
      %dma_wait3A_106 = tpu.memref_slice %dma_wait3A_103[%dma_wait3A_104, %dma_wait3A_105] : memref<10000x64xf32, #tpu.memory_space<hbm>> -> memref<10000x64xf32, #tpu.memory_space<hbm>>
      tpu.wait_indirect_dma semaphore(%arg17 : memref<!tpu.dma_semaphore, #tpu.memory_space<semaphore_mem>>) src(%dma_wait3A_106 : memref<10000x64xf32, #tpu.memory_space<hbm>>) dst(%arg15 : memref<128x64xf32, #tpu.memory_space<vmem>>)
      "tpu.region"() ({
        %run_scoped3A = tpu.sem_alloc : memref<!tpu.dma_semaphore, #tpu.memory_space<semaphore_mem>>
        %dma_start3A_112 = arith.constant 0 : i32
        %dma_start3A_113 = tpu.memref_slice %arg13[%add3A_96, %dma_start3A_112] : memref<158x128xi32, #tpu.memory_space<vmem>> -> memref<1x128xi32, #tpu.memory_space<vmem>>
        %dma_start3A_114 = tpu.memref_squeeze %dma_start3A_113 : memref<1x128xi32, #tpu.memory_space<vmem>> -> memref<128xi32, #tpu.memory_space<vmem>>
        %dma_start3A_115 = arith.constant 0 : i32
        %dma_start3A_116 = arith.constant 0 : i32
        %dma_start3A_117 = tpu.memref_slice %arg7[%dma_start3A_115, %dma_start3A_116] : memref<10112x64xf32, #tpu.memory_space<vmem_shared>> -> memref<10112x64xf32, #tpu.memory_space<vmem_shared>>
        tpu.enqueue_indirect_dma source(%arg15 : memref<128x64xf32, #tpu.memory_space<vmem>>) target(%dma_start3A_117 : memref<10112x64xf32, #tpu.memory_space<vmem_shared>>) offsets(%dma_start3A_114 : memref<128xi32, #tpu.memory_space<vmem>>) semaphore(%run_scoped3A : memref<!tpu.dma_semaphore, #tpu.memory_space<semaphore_mem>>) {add = true}
        %dma_wait3A_118 = arith.constant 0 : i32
        %dma_wait3A_119 = tpu.memref_slice %arg13[%add3A_96, %dma_wait3A_118] : memref<158x128xi32, #tpu.memory_space<vmem>> -> memref<1x128xi32, #tpu.memory_space<vmem>>
        %dma_wait3A_120 = tpu.memref_squeeze %dma_wait3A_119 : memref<1x128xi32, #tpu.memory_space<vmem>> -> memref<128xi32, #tpu.memory_space<vmem>>
        %dma_wait3A_121 = arith.constant 0 : i32
        %dma_wait3A_122 = arith.constant 0 : i32
        %dma_wait3A_123 = tpu.memref_slice %arg7[%dma_wait3A_121, %dma_wait3A_122] : memref<10112x64xf32, #tpu.memory_space<vmem_shared>> -> memref<10112x64xf32, #tpu.memory_space<vmem_shared>>
        tpu.wait_indirect_dma semaphore(%run_scoped3A : memref<!tpu.dma_semaphore, #tpu.memory_space<semaphore_mem>>) src(%arg15 : memref<128x64xf32, #tpu.memory_space<vmem>>) dst(%dma_wait3A_123 : memref<10112x64xf32, #tpu.memory_space<vmem_shared>>)
        tpu.yield
      }) : () -> ()
      %eq3A_107 = arith.constant 0 : i32
      %eq3A_108 = arith.cmpi eq, %arg0, %eq3A_107 : i32
      %convert_element_type3A_109 = arith.extui %eq3A_108 : i1 to i32
      %cond3A_110 = arith.constant 0 : i32
      %cond3A_111 = arith.cmpi ne, %convert_element_type3A_109, %cond3A_110 : i32
      scf.if %cond3A_111 {
        "tpu.region"() ({
          %run_scoped3A = tpu.sem_alloc : memref<!tpu.dma_semaphore, #tpu.memory_space<semaphore_mem>>
          %dma_start3A_112 = arith.constant 0 : i32
          %dma_start3A_113 = tpu.memref_slice %arg13[%add3A_96, %dma_start3A_112] : memref<158x128xi32, #tpu.memory_space<vmem>> -> memref<1x128xi32, #tpu.memory_space<vmem>>
          %dma_start3A_114 = tpu.memref_squeeze %dma_start3A_113 : memref<1x128xi32, #tpu.memory_space<vmem>> -> memref<128xi32, #tpu.memory_space<vmem>>
          %dma_start3A_115 = arith.constant 0 : i32
          %dma_start3A_116 = arith.constant 0 : i32
          %dma_start3A_117 = tpu.memref_slice %arg8[%dma_start3A_115, %dma_start3A_116] : memref<10112x16xf32, #tpu.memory_space<vmem_shared>> -> memref<10112x16xf32, #tpu.memory_space<vmem_shared>>
          tpu.enqueue_indirect_dma source(%arg11 : memref<128x16xf32, #tpu.memory_space<vmem>>) target(%dma_start3A_117 : memref<10112x16xf32, #tpu.memory_space<vmem_shared>>) offsets(%dma_start3A_114 : memref<128xi32, #tpu.memory_space<vmem>>) semaphore(%run_scoped3A : memref<!tpu.dma_semaphore, #tpu.memory_space<semaphore_mem>>) {add = true}
          %dma_wait3A_118 = arith.constant 0 : i32
          %dma_wait3A_119 = tpu.memref_slice %arg13[%add3A_96, %dma_wait3A_118] : memref<158x128xi32, #tpu.memory_space<vmem>> -> memref<1x128xi32, #tpu.memory_space<vmem>>
          %dma_wait3A_120 = tpu.memref_squeeze %dma_wait3A_119 : memref<1x128xi32, #tpu.memory_space<vmem>> -> memref<128xi32, #tpu.memory_space<vmem>>
          %dma_wait3A_121 = arith.constant 0 : i32
          %dma_wait3A_122 = arith.constant 0 : i32
          %dma_wait3A_123 = tpu.memref_slice %arg8[%dma_wait3A_121, %dma_wait3A_122] : memref<10112x16xf32, #tpu.memory_space<vmem_shared>> -> memref<10112x16xf32, #tpu.memory_space<vmem_shared>>
          tpu.wait_indirect_dma semaphore(%run_scoped3A : memref<!tpu.dma_semaphore, #tpu.memory_space<semaphore_mem>>) src(%arg11 : memref<128x16xf32, #tpu.memory_space<vmem>>) dst(%dma_wait3A_123 : memref<10112x16xf32, #tpu.memory_space<vmem_shared>>)
          tpu.yield
        }) : () -> ()
      } else {
      }
    }
    %scan3A_53 = arith.constant 79 : i32
    %barrier3A_54 = arith.constant 0 : index
    tpu.barrier barrier_id(%barrier3A_54)
    "tpu.region"() ({
      %run_scoped3A = tpu.sem_alloc : memref<!tpu.dma_semaphore, #tpu.memory_space<semaphore_mem>>
      %dma_start3A_60 = arith.constant 0 : i32
      %dma_start3A_61 = tpu.memref_slice %arg5[%arg0, %mul3A_20, %dma_start3A_60] : memref<2x10112x64xf32, #tpu.memory_space<hbm>> -> memref<1x632x64xf32, #tpu.memory_space<hbm>>
      %dma_start3A_62 = tpu.memref_squeeze %dma_start3A_61 : memref<1x632x64xf32, #tpu.memory_space<hbm>> -> memref<632x64xf32, #tpu.memory_space<hbm>>
      %dma_start3A_63 = arith.constant 0 : i32
      %dma_start3A_64 = tpu.memref_slice %arg7[%mul3A_20, %dma_start3A_63] : memref<10112x64xf32, #tpu.memory_space<vmem_shared>> -> memref<632x64xf32, #tpu.memory_space<vmem_shared>>
      tpu.enqueue_dma source(%dma_start3A_64 : memref<632x64xf32, #tpu.memory_space<vmem_shared>>) target(%dma_start3A_62 : memref<632x64xf32, #tpu.memory_space<hbm>>) target_semaphore(%run_scoped3A : memref<!tpu.dma_semaphore, #tpu.memory_space<semaphore_mem>>)
      %dma_wait3A = arith.constant 0 : i32
      %dma_wait3A_65 = tpu.memref_slice %arg5[%arg0, %mul3A_20, %dma_wait3A] : memref<2x10112x64xf32, #tpu.memory_space<hbm>> -> memref<1x632x64xf32, #tpu.memory_space<hbm>>
      %dma_wait3A_66 = tpu.memref_squeeze %dma_wait3A_65 : memref<1x632x64xf32, #tpu.memory_space<hbm>> -> memref<632x64xf32, #tpu.memory_space<hbm>>
      %dma_wait3A_67 = arith.constant 0 : i32
      %dma_wait3A_68 = tpu.memref_slice %arg7[%mul3A_20, %dma_wait3A_67] : memref<10112x64xf32, #tpu.memory_space<vmem_shared>> -> memref<632x64xf32, #tpu.memory_space<vmem_shared>>
      tpu.wait_dma2 semaphore(%run_scoped3A : memref<!tpu.dma_semaphore, #tpu.memory_space<semaphore_mem>>) src(%dma_wait3A_68 : memref<632x64xf32, #tpu.memory_space<vmem_shared>>) dst(%dma_wait3A_66 : memref<632x64xf32, #tpu.memory_space<hbm>>)
      tpu.yield
    }) : () -> ()
    %eq3A_55 = arith.constant 0 : i32
    %eq3A_56 = arith.cmpi eq, %arg0, %eq3A_55 : i32
    %convert_element_type3A_57 = arith.extui %eq3A_56 : i1 to i32
    %cond3A_58 = arith.constant 0 : i32
    %cond3A_59 = arith.cmpi ne, %convert_element_type3A_57, %cond3A_58 : i32
    scf.if %cond3A_59 {
      "tpu.region"() ({
        %run_scoped3A = tpu.sem_alloc : memref<!tpu.dma_semaphore, #tpu.memory_space<semaphore_mem>>
        %dma_start3A_60 = arith.constant 0 : i32
        %dma_start3A_61 = tpu.memref_slice %arg6[%mul3A_20, %dma_start3A_60] : memref<10112x16xf32, #tpu.memory_space<hbm>> -> memref<632x16xf32, #tpu.memory_space<hbm>>
        %dma_start3A_62 = arith.constant 0 : i32
        %dma_start3A_63 = tpu.memref_slice %arg8[%mul3A_20, %dma_start3A_62] : memref<10112x16xf32, #tpu.memory_space<vmem_shared>> -> memref<632x16xf32, #tpu.memory_space<vmem_shared>>
        tpu.enqueue_dma source(%dma_start3A_63 : memref<632x16xf32, #tpu.memory_space<vmem_shared>>) target(%dma_start3A_61 : memref<632x16xf32, #tpu.memory_space<hbm>>) target_semaphore(%run_scoped3A : memref<!tpu.dma_semaphore, #tpu.memory_space<semaphore_mem>>)
        %dma_wait3A = arith.constant 0 : i32
        %dma_wait3A_64 = tpu.memref_slice %arg6[%mul3A_20, %dma_wait3A] : memref<10112x16xf32, #tpu.memory_space<hbm>> -> memref<632x16xf32, #tpu.memory_space<hbm>>
        %dma_wait3A_65 = arith.constant 0 : i32
        %dma_wait3A_66 = tpu.memref_slice %arg8[%mul3A_20, %dma_wait3A_65] : memref<10112x16xf32, #tpu.memory_space<vmem_shared>> -> memref<632x16xf32, #tpu.memory_space<vmem_shared>>
        tpu.wait_dma2 semaphore(%run_scoped3A : memref<!tpu.dma_semaphore, #tpu.memory_space<semaphore_mem>>) src(%dma_wait3A_66 : memref<632x16xf32, #tpu.memory_space<vmem_shared>>) dst(%dma_wait3A_64 : memref<632x16xf32, #tpu.memory_space<hbm>>)
        tpu.yield
      }) : () -> ()
    } else {
    }
    return
  }
}

module attributes {stable_mosaic.version = 14 : i64} {
  func.func @_tc_bundler(%arg0: i32, %arg1: memref<400x128xf32, #tpu.memory_space<vmem>>, %arg2: memref<2x400x64xf32, #tpu.memory_space<vmem>>, %arg3: memref<400x16xf32, #tpu.memory_space<vmem>>, %arg4: memref<256x128xf32, #tpu.memory_space<vmem>>, %arg5: memref<1x128xf32, #tpu.memory_space<vmem>>, %arg6: memref<400x128xf32, #tpu.memory_space<vmem>>) attributes {dimension_semantics = [#tpu.dimension_semantics<arbitrary>], iteration_bounds = array<i64: 25>, scalar_prefetch = 0 : i64, scratch_operands = 0 : i64, tpu.core_type = #tpu.core_type<tc>, window_params = [{transform_indices = @transform_0, window_bounds = array<i64: 400, 128>}, {transform_indices = @transform_1, window_bounds = array<i64: 2, 400, 64>}, {transform_indices = @transform_2, window_bounds = array<i64: 400, 16>}, {pipeline_mode = #tpu.pipeline_mode<synchronous>, transform_indices = @transform_3, window_bounds = array<i64: 256, 128>}, {pipeline_mode = #tpu.pipeline_mode<synchronous>, transform_indices = @transform_4, window_bounds = array<i64: 1, 128>}, {transform_indices = @transform_5, window_bounds = array<i64: 400, 128>}]} {
    %get3A = arith.constant 0 : index
    %get3A_0 = arith.constant 0 : index
    %get3A_1 = vector.load %arg1[%get3A, %get3A_0] : memref<400x128xf32, #tpu.memory_space<vmem>>, vector<400x128xf32>
    %get3A_2 = arith.constant 0 : index
    %get3A_3 = arith.constant 0 : index
    %get3A_4 = arith.constant 0 : index
    %get3A_5 = vector.load %arg2[%get3A_2, %get3A_3, %get3A_4] : memref<2x400x64xf32, #tpu.memory_space<vmem>>, vector<1x400x64xf32>
    %get3A_6 = vector.shape_cast %get3A_5 : vector<1x400x64xf32> to vector<400x64xf32>
    %get3A_7 = arith.constant 1 : index
    %get3A_8 = arith.constant 0 : index
    %get3A_9 = arith.constant 0 : index
    %get3A_10 = vector.load %arg2[%get3A_7, %get3A_8, %get3A_9] : memref<2x400x64xf32, #tpu.memory_space<vmem>>, vector<1x400x64xf32>
    %get3A_11 = vector.shape_cast %get3A_10 : vector<1x400x64xf32> to vector<400x64xf32>
    %concatenate3A = tpu.concatenate %get3A_6, %get3A_11 in 1 : vector<400x64xf32>, vector<400x64xf32> -> vector<400x128xf32>
    %get3A_12 = arith.constant 0 : index
    %get3A_13 = arith.constant 0 : index
    %get3A_14 = vector.load %arg3[%get3A_12, %get3A_13] : memref<400x16xf32, #tpu.memory_space<vmem>>, vector<400x1xf32>
    %max3A = arith.constant 1.000000e+00 : f32
    %max3A_15 = vector.broadcast %max3A : f32 to vector<400x1xf32>
    %max3A_16 = arith.maximumf %get3A_14, %max3A_15 : vector<400x1xf32>
    %div3A = vector.broadcast %max3A_16 : vector<400x1xf32> to vector<400x128xf32>
    %div3A_17 = arith.divf %concatenate3A, %div3A : vector<400x128xf32>
    %get3A_18 = arith.constant 0 : index
    %get3A_19 = arith.constant 0 : index
    %get3A_20 = vector.load %arg4[%get3A_18, %get3A_19] : memref<256x128xf32, #tpu.memory_space<vmem>>, vector<256x128xf32>
    %slice3A = vector.extract_strided_slice %get3A_20 {offsets = [0, 0], sizes = [128, 128], strides = [1, 1]} : vector<256x128xf32> to vector<128x128xf32>
    %dot_general3A = arith.constant dense<0.000000e+00> : vector<400x128xf32>
    %dot_general3A_21 = tpu.matmul %get3A_1, %slice3A, %dot_general3A {dimension_numbers = #tpu.dot_dimension_numbers<[1], [0], [0], [1], [0, 0, 1, 1], [], []>, precision = #tpu.contract_precision<fp32>, transpose_lhs_hint = false} : vector<400x128xf32>, vector<128x128xf32>, vector<400x128xf32> -> vector<400x128xf32>
    %slice3A_22 = vector.extract_strided_slice %get3A_20 {offsets = [128, 0], sizes = [128, 128], strides = [1, 1]} : vector<256x128xf32> to vector<128x128xf32>
    %dot_general3A_23 = arith.constant dense<0.000000e+00> : vector<400x128xf32>
    %dot_general3A_24 = tpu.matmul %div3A_17, %slice3A_22, %dot_general3A_23 {dimension_numbers = #tpu.dot_dimension_numbers<[1], [0], [0], [1], [0, 0, 1, 1], [], []>, precision = #tpu.contract_precision<fp32>, transpose_lhs_hint = false} : vector<400x128xf32>, vector<128x128xf32>, vector<400x128xf32> -> vector<400x128xf32>
    %add3A = arith.addf %dot_general3A_21, %dot_general3A_24 : vector<400x128xf32>
    %get3A_25 = arith.constant 0 : index
    %get3A_26 = arith.constant 0 : index
    %get3A_27 = vector.load %arg5[%get3A_25, %get3A_26] : memref<1x128xf32, #tpu.memory_space<vmem>>, vector<1x128xf32>
    %add3A_28 = vector.broadcast %get3A_27 : vector<1x128xf32> to vector<400x128xf32>
    %add3A_29 = arith.addf %add3A, %add3A_28 : vector<400x128xf32>
    %mul3A = arith.mulf %add3A_29, %add3A_29 : vector<400x128xf32>
    %reduce_sum3A = arith.constant dense<0.000000e+00> : vector<400xf32>
    %reduce_sum3A_30 = vector.multi_reduction <add>, %mul3A, %reduce_sum3A [1] : vector<400x128xf32> to vector<400xf32>
    %broadcast_in_dim3A = vector.shape_cast %reduce_sum3A_30 : vector<400xf32> to vector<400x1xf32>
    %sqrt3A = math.sqrt %broadcast_in_dim3A : vector<400x1xf32>
    %max3A_31 = arith.constant 9.99999996E-13 : f32
    %max3A_32 = vector.broadcast %max3A_31 : f32 to vector<400x1xf32>
    %max3A_33 = arith.maximumf %sqrt3A, %max3A_32 : vector<400x1xf32>
    %div3A_34 = vector.broadcast %max3A_33 : vector<400x1xf32> to vector<400x128xf32>
    %div3A_35 = arith.divf %add3A_29, %div3A_34 : vector<400x128xf32>
    %max3A_36 = arith.constant 0.000000e+00 : f32
    %max3A_37 = vector.broadcast %max3A_36 : f32 to vector<400x128xf32>
    %max3A_38 = arith.maximumf %div3A_35, %max3A_37 : vector<400x128xf32>
    %swap3A = arith.constant 0 : index
    %swap3A_39 = arith.constant 0 : index
    %swap3A_40 = vector.load %arg6[%swap3A, %swap3A_39] : memref<400x128xf32, #tpu.memory_space<vmem>>, vector<400x128xf32>
    tpu.vector_store %arg6[%swap3A, %swap3A_39], %max3A_38 {strides = array<i32>} : memref<400x128xf32, #tpu.memory_space<vmem>>, vector<400x128xf32>,
    return
  }
  func.func @transform_0(%arg0: i32) -> (i32, i32) {
    %c0_i32 = arith.constant 0 : i32
    %c0_i32_0 = arith.constant 0 : i32
    return %arg0, %c0_i32 : i32, i32
  }
  func.func @transform_1(%arg0: i32) -> (i32, i32, i32) {
    %c0_i32 = arith.constant 0 : i32
    %c0_i32_0 = arith.constant 0 : i32
    %c0_i32_1 = arith.constant 0 : i32
    return %c0_i32, %arg0, %c0_i32_0 : i32, i32, i32
  }
  func.func @transform_2(%arg0: i32) -> (i32, i32) {
    %c0_i32 = arith.constant 0 : i32
    %c0_i32_0 = arith.constant 0 : i32
    return %arg0, %c0_i32 : i32, i32
  }
  func.func @transform_3(%arg0: i32) -> (i32, i32) {
    %c0_i32 = arith.constant 0 : i32
    %c0_i32_0 = arith.constant 0 : i32
    %c0_i32_1 = arith.constant 0 : i32
    return %c0_i32, %c0_i32_0 : i32, i32
  }
  func.func @transform_4(%arg0: i32) -> (i32, i32) {
    %c0_i32 = arith.constant 0 : i32
    %c0_i32_0 = arith.constant 0 : i32
    %c0_i32_1 = arith.constant 0 : i32
    return %c0_i32, %c0_i32_0 : i32, i32
  }
  func.func @transform_5(%arg0: i32) -> (i32, i32) {
    %c0_i32 = arith.constant 0 : i32
    %c0_i32_0 = arith.constant 0 : i32
    return %arg0, %c0_i32 : i32, i32
  }
}

</mosaic_0001>

<sc_bundles>
// kernel: kernel.4.cloned.1.call-start
scs
__scs_entry_jumppad:
0x0: {  	(pc) =	sbr.rel $0x88, $3  }
0x1: {  	(tag) =	ssettag $0x0;
	lr =	simm.s32 $0x1  }
0x2: {  	[smem:$0x3F9D] =	sst lr;
	_ =	strace $0xD0000000  }
0x3: {  	_ = 	snop  }
0x4: {  	_ = 	snop  }
0x5: {  	_ = 	snop  }
0x6: {  	_ = 	snop  }
0x7: {  	_ = 	snop  }
__scs_overlays_trampoline_lowered:
0x8: {  	[smem:$0x3FAC] =	sst s0  }
0x9: {  	[smem:$0x3FAD] =	sst s1  }
0xa: {  	[smem:$0x3FAE] =	sst s2  }
0xb: {  	[smem:$0x3FAF] =	sst s3  }
0xc: {  	[smem:$0x3FB0] =	sst s4  }
0xd: {  	[smem:$0x3FB1] =	sst s5  }
0xe: {  	[smem:$0x3FB2] =	sst s6  }
0xf: {  	[smem:$0x3FB3] =	sst s7  }
0x10: {  	[smem:$0x3FB4] =	sst s8  }
0x11: {  	[smem:$0x3FB5] =	sst s9;
	s0 =	simm.s32 @!p0 $0x0  }
0x12: {  	s1 =	sld [smem:$0x3F9B];
	s0 =	simm.s32 @p0 $0x1  }
0x13: {  	[smem:$0x3FB6] =	sst s0;
	s0 =	simm.s32 @!p1 $0x0  }
0x14: {  	s2 =	sld [smem:$0x3F9A];
	s0 =	simm.s32 @p1 $0x1  }
0x15: {  	[smem:$0x3FB7] =	sst s0;
	s0 =	simm.s32 @!p2 $0x0  }
0x16: {  	s3 =	sld [smem:$0x3FDB];
	s0 =	simm.s32 @p2 $0x1  }
0x17: {  	s4 =	simm.s32 $0x1BF5;
	[smem:$0x3FB9] =	sst s0  }
0x18: {  	s0 =	sld [smem:$0x3F9C];
	_ =	swait.ge [sflag:s4], $0x0  }
0x19: {  	s7 =	sld [smem:$0x3F9D]  }
0x1a: {  	s8 =	sadd.s32 $0xFFFFE003, lr  }
0x1b: {  	s9 =	sadd.s32 $0xFFFFFEF7, lr;
	s5 =	simm.s32 $0xFFFFFFFF;
	p2 =	slt.u32 s8, $0xFFFFF086  }
0x1c: {  	p1 =	slt.u32 s9, $0xF7A;
	s5 =	simm.s32 @!p2 $0x0  }
0x1d: {  	s5 =	simm.s32 @p1 $0x1;
	p0 =	seq.s32 s7, s2  }
0x1e: {  	s7 =	smul.u32 @!p0 $0xF7A, s2;
	p2 =	seq.s32 @!p0 s5, $0x0  }
0x1f: {  	s9 =	smul.u32 $0xF7A, s1;
	s8 =	simm.s32 @!p0 $0x1BF5;
	p2 =	por !p2, p0  }
0x20: {  	[sflag:s8] =	ssyncset.s32 @!p0 $0xFFFFF086;
	s6 =	sadd.s32 @!p0 s3, s7;
	s7 =	simm.s32 @!p0 $0x108  }
0x21: {  	s3 =	sadd.s32 s3, s9;
	s6 =	sadd.s32 @!p0 $0x88, s6;
	s7 =	simm.s32 @p2 $0x1082  }
0x22: {  	[simem:s7], [sflag:s8] =	dma.local @!p0 [hbm:s6], $0xF7A  }
0x23: {  	s9 =	sor.u32 $0xD0000000, s2;
	s6 =	simm.s32 $0x108;
	_ =	swait.ge @!p0 [sflag:s8], $0x0  }
0x24: {  	s3 =	sadd.s32 $0x88, s3;
	s6 =	simm.s32 @!p1 $0x1082;
	[sflag:s4] =	ssyncset.s32 $0xFFFFF086  }
0x25: {  	[simem:s6], [sflag:s4] =	dma.local [hbm:s3], $0xF7A  }
0x26: {  	[smem:$0x3F9D] =	sst s1;
	(tag) =	ssettag s2;
	_ =	strace s9  }
0x27: {  	s1 =	sld [smem:$0x3FAD]  }
0x28: {  	s2 =	sld [smem:$0x3FAE]  }
0x29: {  	s4 =	sld [smem:$0x3FB0]  }
0x2a: {  	p0 =	seq.s32 s5, $0x0;
	s5 =	sld [smem:$0x3FB1]  }
0x2b: {  	s6 =	sld [smem:$0x3FB2]  }
0x2c: {  	s7 =	sld [smem:$0x3FB3]  }
0x2d: {  	s3 =	simm.s32 $0x108;
	s8 =	sld [smem:$0x3FB4]  }
0x2e: {  	s3 =	simm.s32 @!p0 $0x1082;
	s9 =	sld [smem:$0x3FB5]  }
0x2f: {  	lr =	sadd.s32 s0, s3;
	s0 =	sld [smem:$0x3FAC]  }
0x30: {  	s3 =	sld [smem:$0x3FAF]  }
0x31: {  	[smem:$0x3FB8] =	sst s10  }
0x32: {  	s10 =	sld [smem:$0x3FB6];
	_ =	sdelay $0x3  }
0x33: {  	p0 =	seq.s32 s10, $0x1;
	s10 =	sld [smem:$0x3FB8];
	_ =	sdelay $0x3  }
0x34: {  	[smem:$0x3FB8] =	sst s10  }
0x35: {  	s10 =	sld [smem:$0x3FB7];
	_ =	sdelay $0x3  }
0x36: {  	p1 =	seq.s32 s10, $0x1;
	s10 =	sld [smem:$0x3FB8];
	_ =	sdelay $0x3  }
0x37: {  	[smem:$0x3FB8] =	sst s10  }
0x38: {  	s10 =	sld [smem:$0x3FB9]  }
0x39: {  	_ = 	snop;
	(pc) =	sbr.ind lr, $3  }
0x3a: {  	_ = 	snop  }
0x3b: {  	_ = 	snop  }
0x3c: {  	p2 =	seq.s32 s10, $0x1;
	s10 =	sld [smem:$0x3FB8]  }
0x3d: {  	_ =	shalt  }
0x3e: {  	_ =	shalt  }
0x3f: {  	_ =	shalt  }
0x40: {  	_ =	shalt  }
0x41: {  	_ =	shalt  }
0x42: {  	_ =	shalt  }
0x43: {  	_ =	shalt  }
0x44: {  	_ =	shalt  }
0x45: {  	_ =	shalt  }
0x46: {  	_ =	shalt  }
0x47: {  	_ =	shalt  }
0x48: {  	_ =	shalt  }
0x49: {  	_ =	shalt  }
0x4a: {  	_ =	shalt  }
0x4b: {  	_ =	shalt  }
0x4c: {  	_ =	shalt  }
0x4d: {  	_ =	shalt  }
0x4e: {  	_ =	shalt  }
0x4f: {  	_ =	shalt  }
0x50: {  	_ =	shalt  }
0x51: {  	_ =	shalt  }
0x52: {  	_ =	shalt  }
0x53: {  	_ =	shalt  }
0x54: {  	_ =	shalt  }
0x55: {  	_ =	shalt  }
0x56: {  	_ =	shalt  }
0x57: {  	_ =	shalt  }
0x58: {  	_ =	shalt  }
0x59: {  	_ =	shalt  }
0x5a: {  	_ =	shalt  }
0x5b: {  	_ =	shalt  }
0x5c: {  	_ =	shalt  }
0x5d: {  	_ =	shalt  }
0x5e: {  	_ =	shalt  }
0x5f: {  	_ =	shalt  }
0x60: {  	_ =	shalt  }
0x61: {  	_ =	shalt  }
0x62: {  	_ =	shalt  }
0x63: {  	_ =	shalt  }
0x64: {  	_ =	shalt  }
0x65: {  	_ =	shalt  }
0x66: {  	_ =	shalt  }
0x67: {  	_ =	shalt  }
0x68: {  	_ =	shalt  }
0x69: {  	_ =	shalt  }
0x6a: {  	_ =	shalt  }
0x6b: {  	_ =	shalt  }
0x6c: {  	_ =	shalt  }
0x6d: {  	_ =	shalt  }
0x6e: {  	_ =	shalt  }
0x6f: {  	_ =	shalt  }
0x70: {  	_ =	shalt  }
0x71: {  	_ =	shalt  }
0x72: {  	_ =	shalt  }
0x73: {  	_ =	shalt  }
0x74: {  	_ =	shalt  }
0x75: {  	_ =	shalt  }
0x76: {  	_ =	shalt  }
0x77: {  	_ =	shalt  }
0x78: {  	_ =	shalt  }
0x79: {  	_ =	shalt  }
0x7a: {  	_ =	shalt  }
0x7b: {  	_ =	shalt  }
0x7c: {  	_ =	shalt  }
0x7d: {  	_ =	shalt  }
0x7e: {  	_ =	shalt  }
0x7f: {  	_ =	shalt  }
0x80: {  	_ =	shalt  }
0x81: {  	_ =	shalt  }
0x82: {  	_ =	shalt  }
0x83: {  	_ =	shalt  }
0x84: {  	_ =	shalt  }
0x85: {  	_ =	shalt  }
0x86: {  	_ =	shalt  }
0x87: {  	_ =	shalt  }
.Lfunc_end0:
.L_simem_size_0:
called_computation_lowered:
.L_overlay_start_0:
0x88: {  	s2 =	sld [smem:$0x3FD9]  }
0x89: {  	s3 =	sld [smem:$0x3FFE];
	_ =	sdelay $0x1  }
0x8a: {  	s1 =	srdreg.scid  }
0x8b: {  	s0 =	sand.u32 $0x1, s1  }
0x8c: {  	s17 =	sshll.u32 s0, $0xA;
	s2 =	sadd.s32 s3, s2  }
0x8d: {  	s2 =	sadd.s32 s2, s17  }
0x8e: {  	[smem:$0x3FC4] =	sst s2  }
0x8f: {  	_ = 	snop  }
0x90: {  	s2 =	sld [smem:$0x3FD0];
	(tm) =	ssettm $0x1  }
0x91: {  	s18 =	sld [smem:$0x3FFB];
	_ =	sdelay $0x3  }
0x92: {  	_ =	strace s18  }
0x93: {  	s3 =	sld [smem:$0x3FFC];
	_ =	sdelay $0x3  }
0x94: {  	_ =	strace s3  }
0x95: {  	s3 =	sld [smem:$0x3FFD];
	_ =	sdelay $0x3  }
0x96: {  	_ =	strace s3  }
0x97: {  	_ =	strace $0x8FFFFFFF  }
0x98: {  	s19 =	sld [smem:$0x3FDB];
	_ =	sdelay $0x1  }
0x99: {  	s4 =	simm.s32 $_scs_section_size  }
0x9a: {  	s5 =	simm.s32 $_size__tile_overlayer_lowered;
	s6 =	simm.s32 $_tile_overlayer_lowered  }
0x9b: {  	s22 =	simm.s32 $0x1BFF;
	s21 =	sshll.u32 s6, $0x1;
	s3 =	sadd.s32 s4, s19  }
0x9c: {  	s7 =	simm.s32 $0x0;
	s20 =	sshll.u32 s5, $0x1;
	s5 =	sadd.s32 s21, s3  }
0x9d: {  	[timem:s7], [sflag:s22] =	dma.local [hbm:s5], s20  }
0x9e: {  	_ =	swait.ge [sflag:s22], s20  }
0x9f: {  	s4 =	ssub.s32 $0x0, s20;
	[sflag:s22] =	ssyncset.done $0x0  }
0xa0: {  	[sflag:s22] =	ssyncadd.s32 s4;
	_ =	sdelay $0x1  }
0xa1: {  	s23 =	simm.s32 $0x1B8B  }
0xa2: {  	_ =	swait.ge [sflag:s23], $0x1  }
0xa3: {  	[sflag:s23] =	ssyncset.done $0x0  }
0xa4: {  	s25 =	simm.s32 $0x1B8E;
	s24 =	sld [smem:$0x3FFE];
	[sflag:s23] =	ssyncadd.s32 $0xFFFFFFFF  }
0xa5: {  	s26 =	simm.s32 $execute0_lowered;
	[smem:$0x3FD2] =	sst s25  }
0xa6: {  	s5 =	sshll.u32 s26, $0x1;
	_ =	strace $0x80000046;
	[dreg:$0x1] =	wrdreg $0xFFFFFFFF  }
0xa7: {  	s28 =	simm.s32 $_size_execute0_lowered;
	s3 =	sadd.s32 s3, s5;
	[dreg:$0x0] =	wrdreg $0x0  }
0xa8: {  	s5 =	sshll.u32 s28, $0x1;
	[dreg:$0x2] =	wrdreg s3  }
0xa9: {  	[dreg:$0x3] =	wrdreg s5  }
0xaa: {  	[dreg:$0x4] =	wrdreg $0xC0  }
0xab: {  	_ =	task [dreg:s7], $0x5FFFF  }
0xac: {  	[dreg:$0x1] =	wrdreg $0xFFFFFFFF  }
0xad: {  	[dreg:$0x0] =	wrdreg $0x60  }
0xae: {  	[dreg:$0x2] =	wrdreg s2  }
0xaf: {  	[dreg:$0x3] =	wrdreg s24  }
0xb0: {  	[dreg:$0x4] =	wrdreg $0x0  }
0xb1: {  	[dreg:$0x5] =	wrdreg $0x9E000  }
0xb2: {  	[dreg:$0x6] =	wrdreg $0x9  }
0xb3: {  	_ =	task.clear_ibuf [dreg:s7], $0x7FFFF;
	_ =	strace $0x90000046  }
0xb4: {  	s29 =	simm.s32 $0x9;
	_ =	strace $0x80000048  }
0xb5: {  	_ =	swait.ge [sflag:s29], $0x1  }
0xb6: {  	[sflag:s29] =	ssyncadd.s32 $0xFFFFFFFF  }
0xb7: {  	_ =	strace $0x90000048  }
0xb8: {  	_ =	sfence  }
0xb9: {  	s30 =	sld [smem:$0x0];
	_ =	sdelay $0x2  }
0xba: {  	s31 =	sshll.u32 s1, $0xD;
	s1 =	sshrl.u32 s1, $0x2  }
0xbb: {  	s3 =	sand.u32 $0x4000, s31;
	s1 =	sadd.s32 s1, s30  }
0xbc: {  	s0 =	sor.u32 s3, s0;
	s1 =	sshll.u32 s1, $0x11  }
0xbd: {  	s0 =	sor.u32 s1, s0  }
0xbe: {  	s0 =	sadd.s32 $0x8F2B, s0  }
0xbf: {  	[sflag:s0] =	ssyncadd.remote.s32 $0x1  }
0xc0: {  	_ =	sfence.sel $0xFFFF  }
0xc1: {  	[dreg:$0x0] =	wrdreg $0xFFFFFFFF;
	(pc) =	sbr.abs _section_cstart, $3  }
0xc2: {  	[dreg:$0x1] =	wrdreg $0xFFFFFFFF  }
0xc3: {  	_ =	task.clear_ibuf [dreg:s7], $0x2FFFF;
	_ =	strace $0x9FFFFFFF  }
0xc4: {  	(tm) =	ssettm $0x7FFFFFFF  }
0xc5: {  	_ =	shalt  }
tec
execute0_lowered:
.L_overlay_start_1:
0x0: {  	(tag) =	ssettag $0x1  }
0x1: {  	s0 =	rddreg [dreg:$0x0]  }
0x2: {  	s1 =	rddreg [dreg:$0x1]  }
0x3: {  	s9 =	stileid.u32;
	s3 =	srdreg.scid  }
0x4: {  	s2 =	rddreg [dreg:$0x2];
	s7 =	smul.u32 $0x9E00, s9  }
0x5: {  	s4 =	simm.s32 $0x0;
	s28 =	simm.s32 $0x1C6C0;
	s8 =	smul.u32 $0x9E0, s9  }
0x6: {  	s29 =	simm.s32 $0x1;
	s30 =	simm.s32 $0x4;
	s19 =	smul.u32 $0x2780, s9  }
0x7: {  	s6 =	sand.u32 $0x1, s3;
	s3 =	rddreg [dreg:$0x3];
	s9 =	smul.u32 $0x27800, s9  }
0x8: {  	s31 =	simm.s32 $0x2;
	[smem:$0x7FF] =	sst s4;
	s5 =	smul.u32 $0x9E000, s6  }
0x9: {  	_ =	strace $0x80000047;
	s10 =	ssub.s32 $0x2, s6;
	s16 =	smul.u32 $0x13880, s6  }
0xa: {  	p0 =	sne.s32 s6, $0x0;
	s8 =	sadd.s32 s8, s1;
	s21 =	sshrl.u32 s19, $0x3  }
0xb: {  	s9 =	sshrl.u32 s9, $0x2;
	s22 =	sshrl.u32 s10, $0x1;
	s5 =	sadd.s32 s7, s5  }
0xc: {  	s12 =	sadd.s32 s9, s2;
	s20 =	ssub.s32 s10, s22;
	s14 =	sadd.s32 $0xA600, s8  }
0xd: {  	s15 =	sadd.s32 $0x800, s8;
	s16 =	sadd.s32 s0, s16;
	s0 =	sadd.s32 s19, s3  }
0xe: {  	s22 =	simm.s32 $0x108C0;
	s5 =	sshrl.u32 s5, $0x3;
	s9 =	sadd.s32 $0x13C0, s12  }
0xf: {  	s23 =	sadd.s32 $0x2780, s12;
	s24 =	sadd.s32 $0x3B40, s12;
	s25 =	sadd.s32 $0x4F00, s12  }
0x10: {  	s26 =	sadd.s32 $0x62C0, s12;
	s11 =	sadd.s32 $0x7680, s12;
	[dreg:$0x5] =	wrdreg s9  }
0x11: {  	s12 =	sadd.s32 $0x8A40, s12;
	s19 =	smax.u32 s20, $0x1;
	[dreg:$0x6] =	wrdreg s23  }
0x12: {  	s20 =	simm.s32 $0xC580;
	s17 =	sadd.s32 s5, s1;
	[dreg:$0x7] =	wrdreg s24  }
0x13: {  	s1 =	sadd.s32 s21, s1;
	s5 =	sadd.s32 s7, s2;
	[dreg:$0x8] =	wrdreg s25  }
0x14: {  	[dreg:$0x9] =	wrdreg s26;
	s7 =	sshrl.u32 s7, $0x2;
	s21 =	simm.s32 $0x3  }
0x15: {  	s24 =	simm.s32 $0x80;
	s25 =	sshrl.u32 @!p0 s0, $0x3;
	s26 =	simm.s32 $0x1A6C0  }
0x16: {  	v0 =	vimm.f32 $0.0e+00;
	v1 =	vimm.f32 $1.000000000e+00;
	s13 =	sadd.s32 s7, s3;
	s17 =	sadd.s32 $0x14400, s17;
	s18 =	sadd.s32 $0x3BC00, s1  }
.LBB2_1:
0x17: {  	s1 =	simm.s32 $0x100;
	s0 =	simm.s32 $0x0  }
.LBB2_2:
0x18: {  	p1 =	sne.s32 s1, $0x4E00;
	[tilespmem:s0+$0xC5B0] =	vst v0;
	s6 =	smov.u32 s1;
	s1 =	sadd.s32 $0x100, s1  }
.Ltmp0:
0x19: {  	[tilespmem:s0+$0xC5A0] =	vst v0;
	(pc) =	sbr.rel @p1 .LBB2_2-.Ltmp0, $3  }
0x1a: {  	[tilespmem:s0+$0xC580] =	vst v0  }
0x1b: {  	[tilespmem:s0+$0xC590] =	vst v0;
	_ =	sdelay $0x1  }
0x1c: {  	s0 =	sshra.s32 s6, $0x2  }
0x1d: {  	[tilespmem:s0+$0xC5B0] =	vst v0  }
0x1e: {  	[tilespmem:s0+$0xC5A0] =	vst v0  }
0x1f: {  	[tilespmem:s0+$0xC580] =	vst v0  }
0x20: {  	[tilespmem:s0+$0xC590] =	vst v0;
	s0 =	simm.s32 $0x40;
	s1 =	simm.s32 $0x0  }
.LBB2_4:
0x21: {  	p1 =	sne.s32 s0, $0x9DC0;
	[tilespmem:s1+$0xD940] =	vst v0;
	s1 =	smov.u32 s0;
	s0 =	sadd.s32 $0x40, s0  }
.Ltmp1:
0x22: {  	(pc) =	sbr.rel @p1 .LBB2_4-.Ltmp1, $2  }
0x23: {  	_ =	sdelay $0x2  }
0x24: {  	s1 =	sshra.s32 s1, $0x2  }
0x25: {  	[tilespmem:s1+$0xD940] =	vst v0;
	s0 =	simm.s32 $0x40;
	s1 =	simm.s32 $0x0  }
.LBB2_6:
0x26: {  	p1 =	sne.s32 s0, $0x1FC0;
	[tilespmem:s1+$0x100C0] =	vst v1;
	s1 =	smov.u32 s0;
	s0 =	sadd.s32 $0x40, s0  }
.Ltmp2:
0x27: {  	(pc) =	sbr.rel @p1 .LBB2_6-.Ltmp2, $2  }
0x28: {  	_ =	sdelay $0x2  }
0x29: {  	s1 =	sshra.s32 s1, $0x2  }
0x2a: {  	[tilespmem:s1+$0x100C0] =	vst v1  }
0x2b: {  	[spmem:s5] =	stream.linear.scatter [tilespmem:s20], [sflag:$0x3], $0x13C0, $0x38;
	[tilespmem:$0x1E6C0] =	vst v63  }
0x2c: {  	_ =	swait.ge [sflag:s21], $0x13C0  }
0x2d: {  	[sflag:s21] =	ssyncset.done $0x0  }
0x2e: {  	s0 =	rddreg [dreg:$0x5];
	[sflag:s21] =	ssyncadd.s32 $0xFFFFEC40  }
0x2f: {  	[spmem:s0] =	stream.linear.scatter [tilespmem:s20], [sflag:$0x3], $0x13C0, $0x38;
	[tilespmem:$0x1E6C0] =	vst v63  }
0x30: {  	_ =	swait.ge [sflag:s21], $0x13C0  }
0x31: {  	[sflag:s21] =	ssyncset.done $0x0  }
0x32: {  	s10 =	rddreg [dreg:$0x6];
	[sflag:s21] =	ssyncadd.s32 $0xFFFFEC40  }
0x33: {  	[spmem:s10] =	stream.linear.scatter [tilespmem:s20], [sflag:$0x3], $0x13C0, $0x38;
	[tilespmem:$0x1E6C0] =	vst v63  }
0x34: {  	_ =	swait.ge [sflag:s21], $0x13C0  }
0x35: {  	[sflag:s21] =	ssyncset.done $0x0  }
0x36: {  	s23 =	rddreg [dreg:$0x7];
	[sflag:s21] =	ssyncadd.s32 $0xFFFFEC40  }
0x37: {  	[spmem:s23] =	stream.linear.scatter [tilespmem:s20], [sflag:$0x3], $0x13C0, $0x38;
	[tilespmem:$0x1E6C0] =	vst v63  }
0x38: {  	_ =	swait.ge [sflag:s21], $0x13C0  }
0x39: {  	[sflag:s21] =	ssyncset.done $0x0  }
0x3a: {  	s1 =	rddreg [dreg:$0x8];
	[sflag:s21] =	ssyncadd.s32 $0xFFFFEC40  }
0x3b: {  	[spmem:s1] =	stream.linear.scatter [tilespmem:s20], [sflag:$0x3], $0x13C0, $0x38;
	[tilespmem:$0x1E6C0] =	vst v63  }
0x3c: {  	_ =	swait.ge [sflag:s21], $0x13C0  }
0x3d: {  	[sflag:s21] =	ssyncset.done $0x0  }
0x3e: {  	s6 =	rddreg [dreg:$0x9];
	[sflag:s21] =	ssyncadd.s32 $0xFFFFEC40  }
0x3f: {  	[spmem:s6] =	stream.linear.scatter [tilespmem:s20], [sflag:$0x3], $0x13C0, $0x38;
	[tilespmem:$0x1E6C0] =	vst v63  }
0x40: {  	_ =	swait.ge [sflag:s21], $0x13C0  }
0x41: {  	[sflag:s21] =	ssyncset.done $0x0  }
0x42: {  	[sflag:s21] =	ssyncadd.s32 $0xFFFFEC40  }
0x43: {  	[spmem:s11] =	stream.linear.scatter [tilespmem:s20], [sflag:$0x3], $0x13C0, $0x38;
	[tilespmem:$0x1E6C0] =	vst v63  }
0x44: {  	_ =	swait.ge [sflag:s21], $0x13C0  }
0x45: {  	[sflag:s21] =	ssyncset.done $0x0  }
0x46: {  	[sflag:s21] =	ssyncadd.s32 $0xFFFFEC40  }
0x47: {  	[spmem:s12] =	stream.linear.scatter [tilespmem:s20], [sflag:$0x3], $0x13C0, $0x38;
	[tilespmem:$0x1E6C0] =	vst v63  }
0x48: {  	_ =	swait.ge [sflag:s21], $0x13C0  }
0x49: {  	[sflag:s21] =	ssyncset.done $0x0  }
0x4a: {  	s0 =	simm.s32 @!p0 $0xD940;
	s23 =	simm.s32 @!p0 $0x3;
	[sflag:s21] =	ssyncadd.s32 $0xFFFFEC40  }
0x4b: {  	[spmem:s13] =	stream.linear.scatter @!p0 [tilespmem:s0], [sflag:$0x3], $0x2780, $0x38;
	[tilespmem:$0x1E6C0] =	vst v63  }
0x4c: {  	_ =	swait.ge @!p0 [sflag:s23], $0x2780  }
0x4d: {  	[sflag:s23] =	ssyncset.done @!p0 $0x0  }
0x4e: {  	[sflag:s23] =	ssyncadd.s32 @!p0 $0xFFFFD880  }
0x4f: {  	s7 =	simm.s32 $0x0;
	[bflag:$0x0] =	sbarrier.arrive $0xFFFF  }
0x50: {  	[tilespmem:s22], [sflag:$0x3] =	stream.linear.gather [hbm4b:s14+s7], $0x4F00, $0x38;
	[tilespmem:$0x1E6C0] =	vst v63  }
0x51: {  	_ =	swait.ge [sflag:s21], $0x4F00  }
0x52: {  	[sflag:s21] =	ssyncset.done $0x0  }
0x53: {  	s8 =	simm.s32 $0x157C0;
	[sflag:s21] =	ssyncadd.s32 $0xFFFFB100  }
0x54: {  	[tilespmem:s8], [sflag:$0x3] =	stream.linear.gather [hbm4b:s15+s7], $0x4F00, $0x38;
	[tilespmem:$0x1E6C0] =	vst v63  }
0x55: {  	_ =	swait.ge [sflag:s21], $0x4F00  }
0x56: {  	[sflag:s21] =	ssyncset.done $0x0  }
0x57: {  	[sflag:s21] =	ssyncadd.s32 $0xFFFFB100  }
0x58: {  	[tilespmem:s26], [sflag:$0x1] =	stream.indirect.gather [hbm4b:s16+s24], $0x40, s22, s24, $0xb8;
	[tilespmem:$0x1E6C0] =	vst v63  }
0x59: {  	s9 =	simm.s32 $0x10940  }
0x5a: {  	[tilespmem:s28], [sflag:$0x2] =	stream.indirect.gather [hbm4b:s16+s24], $0x40, s9, s24, $0xb8;
	[tilespmem:$0x1E6C0] =	vst v63  }
0x5b: {  	_ =	swait.ge [sflag:s29], $0x2000  }
0x5c: {  	[sflag:s29] =	ssyncset.done $0x0  }
0x5d: {  	s7 =	simm.s32 $0x157C0;
	[sflag:s29] =	ssyncadd.s32 $0xFFFFE000  }
0x5e: {  	[spmem:s2] =	stream.indirect.scatter.add.f32 [tilespmem:s26], [sflag:$0x4], $0x40, s7, s24, $0xb8;
	[tilespmem:$0x1E6C0] =	vst v63  }
0x5f: {  	_ =	swait.ge [sflag:s30], $0x2000  }
0x60: {  	s1 =	simm.s32 @!p0 $0x4;
	[sflag:s30] =	ssyncset.done $0x0  }
0x61: {  	s6 =	simm.s32 @!p0 $0x100C0;
	s0 =	simm.s32 @!p0 $0x80;
	[sflag:s30] =	ssyncadd.s32 $0xFFFFE000  }
0x62: {  	[spmem:s3] =	stream.indirect.scatter.add.f32 @!p0 [tilespmem:s6], [sflag:$0x4], $0x10, s7, s0, $0xb8;
	[tilespmem:$0x1E6C0] =	vst v63  }
0x63: {  	_ =	swait.ge @!p0 [sflag:s1], $0x800  }
0x64: {  	[sflag:s1] =	ssyncset.done @!p0 $0x0  }
0x65: {  	s10 =	simm.s32 $0x109C0;
	[sflag:s1] =	ssyncadd.s32 @!p0 $0xFFFFF800  }
0x66: {  	[tilespmem:s26], [sflag:$0x1] =	stream.indirect.gather [hbm4b:s16+s24], $0x40, s10, s24, $0xb8;
	[tilespmem:$0x1E6C0] =	vst v63  }
0x67: {  	_ =	swait.ge [sflag:s31], $0x2000  }
0x68: {  	[sflag:s31] =	ssyncset.done $0x0  }
0x69: {  	s7 =	simm.s32 $0x15840;
	[sflag:s31] =	ssyncadd.s32 $0xFFFFE000  }
0x6a: {  	[spmem:s2] =	stream.indirect.scatter.add.f32 [tilespmem:s28], [sflag:$0x4], $0x40, s7, s24, $0xb8;
	[tilespmem:$0x1E6C0] =	vst v63  }
0x6b: {  	_ =	swait.ge [sflag:s30], $0x2000  }
0x6c: {  	[sflag:s30] =	ssyncset.done $0x0  }
0x6d: {  	[sflag:s30] =	ssyncadd.s32 $0xFFFFE000  }
0x6e: {  	[spmem:s3] =	stream.indirect.scatter.add.f32 @!p0 [tilespmem:s6], [sflag:$0x3], $0x10, s7, s0, $0xb8;
	[tilespmem:$0x1E6C0] =	vst v63  }
0x6f: {  	_ =	swait.ge @!p0 [sflag:s23], $0x800  }
0x70: {  	s8 =	simm.s32 $0x800;
	s7 =	simm.s32 $0x100;
	[sflag:s23] =	ssyncset.done @!p0 $0x0  }
.LBB2_8:
0x71: {  	s9 =	sadd.s32 $0x10940, s7  }
0x72: {  	[sflag:s23] =	ssyncadd.s32 @!p0 $0xFFFFF800;
	s10 =	smov.u32 s8;
	s8 =	sadd.s32 $0x400, s8  }
0x73: {  	[tilespmem:s28], [sflag:$0x2] =	stream.indirect.gather [hbm4b:s16+s24], $0x40, s9, s24, $0xb8;
	[tilespmem:$0x1E6C0] =	vst v63  }
0x74: {  	p1 =	sne.s32 s8, $0x13800;
	_ =	swait.ge [sflag:s29], $0x2000  }
0x75: {  	[sflag:s29] =	ssyncset.done $0x0  }
0x76: {  	s9 =	sadd.s32 $0x157C0, s7;
	[sflag:s29] =	ssyncadd.s32 $0xFFFFE000  }
0x77: {  	[spmem:s2] =	stream.indirect.scatter.add.f32 [tilespmem:s26], [sflag:$0x4], $0x40, s9, s24, $0xb8;
	[tilespmem:$0x1E6C0] =	vst v63  }
0x78: {  	_ =	swait.ge [sflag:s30], $0x2000  }
0x79: {  	[sflag:s30] =	ssyncset.done $0x0  }
0x7a: {  	[sflag:s30] =	ssyncadd.s32 $0xFFFFE000  }
0x7b: {  	[spmem:s3] =	stream.indirect.scatter.add.f32 @!p0 [tilespmem:s6], [sflag:$0x4], $0x10, s9, s0, $0xb8;
	[tilespmem:$0x1E6C0] =	vst v63  }
0x7c: {  	_ =	swait.ge @!p0 [sflag:s1], $0x800  }
0x7d: {  	[sflag:s1] =	ssyncset.done @!p0 $0x0  }
0x7e: {  	s9 =	sadd.s32 $0x109C0, s7;
	[sflag:s1] =	ssyncadd.s32 @!p0 $0xFFFFF800  }
0x7f: {  	[tilespmem:s26], [sflag:$0x1] =	stream.indirect.gather [hbm4b:s16+s24], $0x40, s9, s24, $0xb8;
	[tilespmem:$0x1E6C0] =	vst v63  }
0x80: {  	_ =	swait.ge [sflag:s31], $0x2000  }
0x81: {  	[sflag:s31] =	ssyncset.done $0x0  }
0x82: {  	s7 =	sadd.s32 $0x15840, s7;
	[sflag:s31] =	ssyncadd.s32 $0xFFFFE000  }
0x83: {  	[spmem:s2] =	stream.indirect.scatter.add.f32 [tilespmem:s28], [sflag:$0x4], $0x40, s7, s24, $0xb8;
	[tilespmem:$0x1E6C0] =	vst v63  }
0x84: {  	_ =	swait.ge [sflag:s30], $0x2000  }
.Ltmp3:
0x85: {  	[sflag:s30] =	ssyncset.done $0x0;
	(pc) =	sbr.rel @p1 .LBB2_8-.Ltmp3, $4  }
0x86: {  	[sflag:s30] =	ssyncadd.s32 $0xFFFFE000  }
0x87: {  	[spmem:s3] =	stream.indirect.scatter.add.f32 @!p0 [tilespmem:s6], [sflag:$0x3], $0x10, s7, s0, $0xb8;
	[tilespmem:$0x1E6C0] =	vst v63  }
0x88: {  	_ =	swait.ge @!p0 [sflag:s23], $0x800  }
0x89: {  	s7 =	sshra.s32 s10, $0x2;
	[sflag:s23] =	ssyncset.done @!p0 $0x0  }
0x8a: {  	s0 =	sadd.s32 $0x10940, s7;
	[sflag:s23] =	ssyncadd.s32 @!p0 $0xFFFFF800  }
0x8b: {  	[tilespmem:s28], [sflag:$0x2] =	stream.indirect.gather [hbm4b:s16+s24], $0x40, s0, s24, $0xb8;
	[tilespmem:$0x1E6C0] =	vst v63  }
0x8c: {  	_ =	swait.ge [sflag:s29], $0x2000  }
0x8d: {  	[sflag:s29] =	ssyncset.done $0x0  }
0x8e: {  	s0 =	sadd.s32 $0x157C0, s7;
	[sflag:s29] =	ssyncadd.s32 $0xFFFFE000  }
0x8f: {  	[spmem:s2] =	stream.indirect.scatter.add.f32 [tilespmem:s26], [sflag:$0x4], $0x40, s0, s24, $0xb8;
	[tilespmem:$0x1E6C0] =	vst v63  }
0x90: {  	_ =	swait.ge [sflag:s30], $0x2000  }
0x91: {  	s1 =	simm.s32 @!p0 $0x4;
	[sflag:s30] =	ssyncset.done $0x0  }
0x92: {  	s6 =	simm.s32 @!p0 $0x80;
	s8 =	simm.s32 @!p0 $0x100C0;
	[sflag:s30] =	ssyncadd.s32 $0xFFFFE000  }
0x93: {  	[spmem:s3] =	stream.indirect.scatter.add.f32 @!p0 [tilespmem:s8], [sflag:$0x4], $0x10, s0, s6, $0xb8;
	[tilespmem:$0x1E6C0] =	vst v63  }
0x94: {  	_ =	swait.ge @!p0 [sflag:s1], $0x800  }
0x95: {  	[sflag:s1] =	ssyncset.done @!p0 $0x0  }
0x96: {  	s10 =	sadd.s32 $0x109C0, s7;
	[sflag:s1] =	ssyncadd.s32 @!p0 $0xFFFFF800  }
0x97: {  	[tilespmem:s26], [sflag:$0x1] =	stream.indirect.gather [hbm4b:s16+s24], $0x40, s10, s24, $0xb8;
	[tilespmem:$0x1E6C0] =	vst v63  }
0x98: {  	_ =	swait.ge [sflag:s31], $0x2000  }
0x99: {  	[sflag:s31] =	ssyncset.done $0x0  }
0x9a: {  	s0 =	sadd.s32 $0x15840, s7;
	[sflag:s31] =	ssyncadd.s32 $0xFFFFE000  }
0x9b: {  	[spmem:s2] =	stream.indirect.scatter.add.f32 [tilespmem:s28], [sflag:$0x4], $0x40, s0, s24, $0xb8;
	[tilespmem:$0x1E6C0] =	vst v63  }
0x9c: {  	_ =	swait.ge [sflag:s30], $0x2000  }
0x9d: {  	[sflag:s30] =	ssyncset.done $0x0  }
0x9e: {  	[sflag:s30] =	ssyncadd.s32 $0xFFFFE000  }
0x9f: {  	[spmem:s3] =	stream.indirect.scatter.add.f32 @!p0 [tilespmem:s8], [sflag:$0x3], $0x10, s0, s6, $0xb8;
	[tilespmem:$0x1E6C0] =	vst v63  }
0xa0: {  	_ =	swait.ge @!p0 [sflag:s23], $0x800  }
0xa1: {  	[sflag:s23] =	ssyncset.done @!p0 $0x0  }
0xa2: {  	s7 =	simm.s32 $0x15740;
	[sflag:s23] =	ssyncadd.s32 @!p0 $0xFFFFF800  }
0xa3: {  	[tilespmem:s28], [sflag:$0x2] =	stream.indirect.gather [hbm4b:s16+s24], $0x40, s7, s24, $0xb8;
	[tilespmem:$0x1E6C0] =	vst v63  }
0xa4: {  	_ =	swait.ge [sflag:s29], $0x2000  }
0xa5: {  	[sflag:s29] =	ssyncset.done $0x0  }
0xa6: {  	s9 =	simm.s32 $0x1A5C0;
	[sflag:s29] =	ssyncadd.s32 $0xFFFFE000  }
0xa7: {  	[spmem:s2] =	stream.indirect.scatter.add.f32 [tilespmem:s26], [sflag:$0x4], $0x40, s9, s24, $0xb8;
	[tilespmem:$0x1E6C0] =	vst v63  }
0xa8: {  	_ =	swait.ge [sflag:s30], $0x2000  }
0xa9: {  	[sflag:s30] =	ssyncset.done $0x0  }
0xaa: {  	s0 =	simm.s32 @p0 $0x2;
	[sflag:s30] =	ssyncadd.s32 $0xFFFFE000  }
0xab: {  	_ =	swait.ge @p0 [sflag:s0], $0x2000  }
0xac: {  	s7 =	simm.s32 @p0 $0x1A640;
	[sflag:s0] =	ssyncset.done @p0 $0x0  }
0xad: {  	s9 =	simm.s32 @p0 $0x1C6C0;
	[sflag:s0] =	ssyncadd.s32 @p0 $0xFFFFE000;
	s0 =	simm.s32 @p0 $0x80  }
0xae: {  	[spmem:s2] =	stream.indirect.scatter.add.f32 @p0 [tilespmem:s9], [sflag:$0x4], $0x40, s7, s0, $0xb8;
	[tilespmem:$0x1E6C0] =	vst v63  }
0xaf: {  	s0 =	simm.s32 @p0 $0x4  }
0xb0: {  	_ =	swait.ge @p0 [sflag:s0], $0x2000  }
0xb1: {  	[sflag:s0] =	ssyncset.done @p0 $0x0  }
0xb2: {  	[sflag:s0] =	ssyncadd.s32 @p0 $0xFFFFE000;
	s0 =	simm.s32 @!p0 $0x1A5C0  }
0xb3: {  	[spmem:s3] =	stream.indirect.scatter.add.f32 @!p0 [tilespmem:s8], [sflag:$0x4], $0x10, s0, s6, $0xb8;
	[tilespmem:$0x1E6C0] =	vst v63  }
0xb4: {  	_ =	swait.ge @!p0 [sflag:s1], $0x800  }
0xb5: {  	[sflag:s1] =	ssyncset.done @!p0 $0x0  }
0xb6: {  	s0 =	simm.s32 @!p0 $0x2;
	[sflag:s1] =	ssyncadd.s32 @!p0 $0xFFFFF800  }
0xb7: {  	_ =	swait.ge @!p0 [sflag:s0], $0x2000  }
0xb8: {  	[sflag:s0] =	ssyncset.done @!p0 $0x0  }
0xb9: {  	s7 =	simm.s32 @!p0 $0x1C6C0;
	[sflag:s0] =	ssyncadd.s32 @!p0 $0xFFFFE000;
	s0 =	simm.s32 @!p0 $0x1A640  }
0xba: {  	[spmem:s2] =	stream.indirect.scatter.add.f32 @!p0 [tilespmem:s7], [sflag:$0x4], $0x40, s0, s6, $0xb8;
	[tilespmem:$0x1E6C0] =	vst v63  }
0xbb: {  	_ =	swait.ge @!p0 [sflag:s1], $0x2000  }
0xbc: {  	[sflag:s1] =	ssyncset.done @!p0 $0x0  }
0xbd: {  	[sflag:s1] =	ssyncadd.s32 @!p0 $0xFFFFE000  }
0xbe: {  	[spmem:s3] =	stream.indirect.scatter.add.f32 @!p0 [tilespmem:s8], [sflag:$0x3], $0x10, s0, s6, $0xb8;
	[tilespmem:$0x1E6C0] =	vst v63  }
0xbf: {  	s0 =	simm.s32 @!p0 $0x3  }
0xc0: {  	_ =	swait.ge @!p0 [sflag:s0], $0x800  }
0xc1: {  	s10 =	stileid.u32;
	[sflag:s0] =	ssyncset.done @!p0 $0x0  }
0xc2: {  	s1 =	sshll.u32 s10, $0x6;
	[sflag:s0] =	ssyncadd.s32 @!p0 $0xFFFFF800  }
0xc3: {  	s23 =	sshrl.u32 s5, $0x3;
	s1 =	sor.u32 $0x1C03, s1;
	[bflag:$0x0] =	sbarrier.arrive $0xFFFF  }
0xc4: {  	[hbm:s17], [sflag:s1] =	dma.local [spmem:s23], $0x13C0  }
0xc5: {  	s4 =	sadd.s32 $0x1, s4;
	_ =	swait.ge [sflag:s21], $0x13C0  }
0xc6: {  	p1 =	sne.s32 s4, s19;
	[sflag:s21] =	ssyncset.done $0x0  }
.Ltmp4:
0xc7: {  	[sflag:s21] =	ssyncadd.s32 $0xFFFFEC40;
	(pc) =	sbr.rel @p1 .LBB2_1-.Ltmp4, $4  }
0xc8: {  	[hbm:s18], [sflag:s1] =	dma.local @!p0 [spmem:s25], $0x4F0  }
0xc9: {  	_ =	swait.ge @!p0 [sflag:s0], $0x4F0  }
0xca: {  	[sflag:s0] =	ssyncset.done @!p0 $0x0  }
0xcb: {  	[sflag:s0] =	ssyncadd.s32 @!p0 $0xFFFFFB10  }
0xcc: {  	_ =	sfence.sel $0x180000  }
0xcd: {  	[bflag:$0x0] =	sbarrier.arrive $0xFFFF  }
0xce: {  	_ =	strace $0x90000047  }
0xcf: {  	s0 =	stileid.u32;
	[bflag:$0x2] =	sbarrier.arrive $0xFFFF  }
0xd0: {  	p0 =	sne.s32 s0, $0x0;
	s0 =	rddreg [dreg:$0x4]  }
0xd1: {  	s0 =	sadd.s32 @!p0 $0x100000, s0  }
0xd2: {  	[sflag:s0] =	ssyncadd.tile.s32 @!p0 $0x1;
	_ =	shalt  }
.Lfunc_end2:
_tile_overlayer_lowered:
.L_overlay_start_2:
0xd3: {  	(tag) =	ssettag $0x2  }
0xd4: {  	s0 =	rddreg [dreg:$0x0];
	s2 =	stileid.u32  }
0xd5: {  	s1 =	rddreg [dreg:$0x1];
	p0 =	sne.s32 s2, $0x0  }
0xd6: {  	s3 =	rddreg [dreg:$0x2];
	[bflag:$0x3] =	sbarrier.arrive $0xFFFF;
	s2 =	simm.s32 @!p0 $0x1C03  }
0xd7: {  	[timem:s3], [sflag:s2] =	dma.local @!p0 [hbm:s0], s1  }
0xd8: {  	s0 =	simm.s32 @!p0 $0x3  }
0xd9: {  	_ =	swait.ge @!p0 [sflag:s0], s1  }
0xda: {  	s1 =	ssub.s32 @!p0 $0x0, s1;
	[sflag:s0] =	ssyncset.done @!p0 $0x0  }
0xdb: {  	[sflag:s0] =	ssyncadd.s32 @!p0 s1  }
0xdc: {  	[bflag:$0x3] =	sbarrier.arrive $0xFFFF  }
0xdd: {  	_ =	shalt  }

</sc_bundles>
